<compile_context>
chip_gen: v7x
topology: tpu7x:2x2x1
jax: 0.10.2.dev20260603
libtpu: 0.0.44.dev20260713+nightly
codegen_flags: <defaults>
</compile_context>

<pallas_src>
import functools

import jax
import jax.numpy as jnp
from jax import lax
from jax.experimental import pallas as pl
from jax.experimental.pallas import tpu as pltpu
from jax.experimental.pallas import tpu_sc as plsc

R = 128
V = 100000
NW = 32
STRIDE = 3120
WINDOW = 3280
CB = 328
NBLK = WINDOW // CB
GROUPS = R // 16
NEG_INF = float("-inf")

_mesh = plsc.VectorSubcoreMesh(core_axis_name="c", subcore_axis_name="s")


@functools.partial(
    pl.kernel,
    mesh=_mesh,
    compiler_params=pltpu.CompilerParams(needs_layout_passes=False),
    out_type=(
        jax.ShapeDtypeStruct((NW, GROUPS, 16), jnp.float32),
        jax.ShapeDtypeStruct((NW, GROUPS, 16), jnp.int32),
    ),
    scratch_types=[
        pltpu.VMEM((CB, R), jnp.float32),
        pltpu.VMEM((CB, R), jnp.float32),
        pltpu.VMEM((CB, R), jnp.float32),
        pltpu.VMEM((GROUPS, 16), jnp.float32),
        pltpu.VMEM((GROUPS, 16), jnp.int32),
        pltpu.SemaphoreType.DMA,
        pltpu.SemaphoreType.DMA,
        pltpu.SemaphoreType.DMA,
    ],
)
def _argmax_kernel(xt_hbm, outv_hbm, outc_hbm, b0, b1, b2, obufv, obufc,
                   s0, s1, s2):
    wid = lax.axis_index("s") * 2 + lax.axis_index("c")
    wstart = wid * STRIDE
    bufs = (b0, b1, b2)
    sems = (s0, s1, s2)

    def blk_src(blk):
        c0 = pl.multiple_of(wstart + blk * CB, 8)
        return xt_hbm.at[pl.ds(c0, CB), pl.ds(0, R)]

    for b in range(3):
        pltpu.async_copy(blk_src(b), bufs[b], sems[b])

    neg_inf = jnp.full((16,), NEG_INF, jnp.float32)
    zero_i = jnp.zeros((16,), jnp.int32)

    def scan_block(buf, cbase, accs):
        def body(t, carry):
            acc = list(carry)
            for k in range(2):
                c = t * 2 + k
                cv = jnp.broadcast_to(cbase + c, (16,))
                for u in range(GROUPS):
                    v = buf[c, pl.ds(u * 16, 16)]
                    pred = v > acc[u]
                    acc[u] = jnp.where(pred, v, acc[u])
                    acc[GROUPS + u] = jnp.where(pred, cv, acc[GROUPS + u])
            return tuple(acc)

        return lax.fori_loop(0, CB // 2, body, accs)

    def outer(j, carry):
        acc = carry
        for b in range(3):
            blk = j * 3 + b
            pltpu.make_async_copy(blk_src(0), bufs[b], sems[b]).wait()
            acc = scan_block(bufs[b], wstart + blk * CB, acc)

            @pl.when(blk + 3 < NBLK)
            def _():
                pltpu.async_copy(blk_src(blk + 3), bufs[b], sems[b])

        return acc

    init = tuple([neg_inf] * GROUPS + [zero_i] * GROUPS)
    acc = lax.fori_loop(0, (NBLK // 3), outer, init)

    pltpu.make_async_copy(blk_src(0), bufs[0], sems[0]).wait()
    acc = scan_block(bufs[0], wstart + (NBLK - 1) * CB, acc)

    for u in range(GROUPS):
        obufv[u, pl.ds(0, 16)] = acc[u]
        obufc[u, pl.ds(0, 16)] = acc[GROUPS + u]
    pltpu.sync_copy(obufv, outv_hbm.at[wid])
    pltpu.sync_copy(obufc, outc_hbm.at[wid])


def kernel(m_logits):
    outv, outc = _argmax_kernel(m_logits.T)
    vals = outv.reshape(NW, R)
    cols = outc.reshape(NW, R)
    m = vals.max(axis=0)
    cand = jnp.where(vals == m[None, :], cols, jnp.int32(V))
    return cand.min(axis=0).reshape(R, 1).astype(jnp.int32)

# --- scband reference (transcript-rebuilt; emitter-appended) ---
"""Pipeline reference for scband-greedy-head-18580028522998 (READ-ONLY COPY).

The authoritative reference and input builder live on the scoring server;
editing this copy changes nothing except your own understanding.
"""

import jax, jax.numpy as jnp
import numpy as np


def setup_inputs(seed: int = 0) -> dict:
    key = jax.random.key(seed)
    m_logits = jax.random.normal(key, (128, 100000), dtype=jnp.float32)
    return {"m_logits": m_logits}


def reference(m_logits):
    # GreedyHead.forward: _, token = torch.topk(m_logits.float(), 1); return token
    _, token = jax.lax.top_k(m_logits.astype(jnp.float32), 1)
    return token

if __name__ == "__main__":
    import jax
    _d = setup_inputs()
    print(jax.jit(kernel)(*tuple(_d.values())))

</pallas_src>

<mosaic_0001>
#map = affine_map<(d0, d1) -> (0, 0)>
#map1 = affine_map<(d0, d1) -> (0, 0, 0)>
module attributes {stable_mosaic.version = 14 : i64} {
  func.func @_argmax_kernel(%arg0: i32, %arg1: i32, %arg2: memref<100000x128xf32, #tpu.memory_space<hbm>>, %arg3: memref<32x8x16xf32, #tpu.memory_space<hbm>>, %arg4: memref<32x8x16xi32, #tpu.memory_space<hbm>>, %arg5: memref<328x128xf32, #tpu.memory_space<vmem>>, %arg6: memref<328x128xf32, #tpu.memory_space<vmem>>, %arg7: memref<328x128xf32, #tpu.memory_space<vmem>>, %arg8: memref<8x16xf32, #tpu.memory_space<vmem>>, %arg9: memref<8x16xi32, #tpu.memory_space<vmem>>, %arg10: memref<!tpu.dma_semaphore, #tpu.memory_space<semaphore_mem>>, %arg11: memref<!tpu.dma_semaphore, #tpu.memory_space<semaphore_mem>>, %arg12: memref<!tpu.dma_semaphore, #tpu.memory_space<semaphore_mem>>) attributes {dimension_semantics = [#tpu.dimension_semantics<core_parallel>, #tpu.dimension_semantics<subcore_parallel>], iteration_bounds = array<i64: 2, 16>, scalar_prefetch = 0 : i64, scratch_operands = 8 : i64, tpu.core_type = #tpu.core_type<sc_vector_subcore>, window_params = [{transform_indices = #map}, {transform_indices = #map1}, {transform_indices = #map1}]} {
    %mul3A = arith.constant 2 : i32
    %mul3A_0 = arith.muli %arg1, %mul3A : i32
    %add3A = arith.addi %mul3A_0, %arg0 : i32
    %mul3A_1 = arith.constant 3120 : i32
    %mul3A_2 = arith.muli %add3A, %mul3A_1 : i32
    %add3A_3 = arith.constant 0 : i32
    %add3A_4 = arith.addi %mul3A_2, %add3A_3 : i32
    %multiple_of3A = tpu.assume_multiple %add3A_4, 8 : i32
    %dma_start3A = arith.constant 0 : i32
    %dma_start3A_5 = tpu.memref_slice %arg2[%multiple_of3A, %dma_start3A] : memref<100000x128xf32, #tpu.memory_space<hbm>> -> memref<328x128xf32, #tpu.memory_space<hbm>>
    %dma_start3A_6 = arith.constant 0 : i32
    %dma_start3A_7 = tpu.memref_slice %arg2[%multiple_of3A, %dma_start3A_6] : memref<100000x128xf32, #tpu.memory_space<hbm>> -> memref<328x128xf32, #tpu.memory_space<hbm>>
    tpu.enqueue_dma source(%dma_start3A_7 : memref<328x128xf32, #tpu.memory_space<hbm>>) target(%arg5 : memref<328x128xf32, #tpu.memory_space<vmem>>) target_semaphore(%arg10 : memref<!tpu.dma_semaphore, #tpu.memory_space<semaphore_mem>>)
    %add3A_8 = arith.constant 328 : i32
    %add3A_9 = arith.addi %mul3A_2, %add3A_8 : i32
    %multiple_of3A_10 = tpu.assume_multiple %add3A_9, 8 : i32
    %dma_start3A_11 = arith.constant 0 : i32
    %dma_start3A_12 = tpu.memref_slice %arg2[%multiple_of3A_10, %dma_start3A_11] : memref<100000x128xf32, #tpu.memory_space<hbm>> -> memref<328x128xf32, #tpu.memory_space<hbm>>
    %dma_start3A_13 = arith.constant 0 : i32
    %dma_start3A_14 = tpu.memref_slice %arg2[%multiple_of3A_10, %dma_start3A_13] : memref<100000x128xf32, #tpu.memory_space<hbm>> -> memref<328x128xf32, #tpu.memory_space<hbm>>
    tpu.enqueue_dma source(%dma_start3A_14 : memref<328x128xf32, #tpu.memory_space<hbm>>) target(%arg6 : memref<328x128xf32, #tpu.memory_space<vmem>>) target_semaphore(%arg11 : memref<!tpu.dma_semaphore, #tpu.memory_space<semaphore_mem>>)
    %add3A_15 = arith.constant 656 : i32
    %add3A_16 = arith.addi %mul3A_2, %add3A_15 : i32
    %multiple_of3A_17 = tpu.assume_multiple %add3A_16, 8 : i32
    %dma_start3A_18 = arith.constant 0 : i32
    %dma_start3A_19 = tpu.memref_slice %arg2[%multiple_of3A_17, %dma_start3A_18] : memref<100000x128xf32, #tpu.memory_space<hbm>> -> memref<328x128xf32, #tpu.memory_space<hbm>>
    %dma_start3A_20 = arith.constant 0 : i32
    %dma_start3A_21 = tpu.memref_slice %arg2[%multiple_of3A_17, %dma_start3A_20] : memref<100000x128xf32, #tpu.memory_space<hbm>> -> memref<328x128xf32, #tpu.memory_space<hbm>>
    tpu.enqueue_dma source(%dma_start3A_21 : memref<328x128xf32, #tpu.memory_space<hbm>>) target(%arg7 : memref<328x128xf32, #tpu.memory_space<vmem>>) target_semaphore(%arg12 : memref<!tpu.dma_semaphore, #tpu.memory_space<semaphore_mem>>)
    %broadcast_in_dim3A = arith.constant 0xFF800000 : f32
    %broadcast_in_dim3A_22 = vector.broadcast %broadcast_in_dim3A : f32 to vector<16xf32>
    %broadcast_in_dim3A_23 = arith.constant 0 : i32
    %broadcast_in_dim3A_24 = vector.broadcast %broadcast_in_dim3A_23 : i32 to vector<16xi32>
    %scan3A = arith.constant 0 : i32
    %scan3A_25 = arith.constant 3 : i32
    %scan3A_26 = arith.addi %scan3A, %scan3A_25 : i32
    %scan3A_27 = arith.constant 1 : i32
    %scan3A_28:16 = scf.for %scan3A_107 = %scan3A to %scan3A_26 step %scan3A_27 iter_args(%scan3A_108 = %broadcast_in_dim3A_22, %scan3A_109 = %broadcast_in_dim3A_22, %scan3A_110 = %broadcast_in_dim3A_22, %scan3A_111 = %broadcast_in_dim3A_22, %scan3A_112 = %broadcast_in_dim3A_22, %scan3A_113 = %broadcast_in_dim3A_22, %scan3A_114 = %broadcast_in_dim3A_22, %scan3A_115 = %broadcast_in_dim3A_22, %scan3A_116 = %broadcast_in_dim3A_24, %scan3A_117 = %broadcast_in_dim3A_24, %scan3A_118 = %broadcast_in_dim3A_24, %scan3A_119 = %broadcast_in_dim3A_24, %scan3A_120 = %broadcast_in_dim3A_24, %scan3A_121 = %broadcast_in_dim3A_24, %scan3A_122 = %broadcast_in_dim3A_24, %scan3A_123 = %broadcast_in_dim3A_24) -> (vector<16xf32>, vector<16xf32>, vector<16xf32>, vector<16xf32>, vector<16xf32>, vector<16xf32>, vector<16xf32>, vector<16xf32>, vector<16xi32>, vector<16xi32>, vector<16xi32>, vector<16xi32>, vector<16xi32>, vector<16xi32>, vector<16xi32>, vector<16xi32>)  : i32 {
      %mul3A_124 = arith.constant 3 : i32
      %mul3A_125 = arith.muli %scan3A_107, %mul3A_124 : i32
      %add3A_126 = arith.constant 0 : i32
      %add3A_127 = arith.addi %mul3A_125, %add3A_126 : i32
      %add3A_128 = arith.constant 0 : i32
      %add3A_129 = arith.addi %mul3A_2, %add3A_128 : i32
      %multiple_of3A_130 = tpu.assume_multiple %add3A_129, 8 : i32
      %dma_wait3A_131 = arith.constant 0 : i32
      %dma_wait3A_132 = tpu.memref_slice %arg2[%multiple_of3A_130, %dma_wait3A_131] : memref<100000x128xf32, #tpu.memory_space<hbm>> -> memref<328x128xf32, #tpu.memory_space<hbm>>
      %dma_wait3A_133 = arith.constant 0 : i32
      %dma_wait3A_134 = tpu.memref_slice %arg2[%multiple_of3A_130, %dma_wait3A_133] : memref<100000x128xf32, #tpu.memory_space<hbm>> -> memref<328x128xf32, #tpu.memory_space<hbm>>
      tpu.wait_dma2 semaphore(%arg10 : memref<!tpu.dma_semaphore, #tpu.memory_space<semaphore_mem>>) src(%dma_wait3A_134 : memref<328x128xf32, #tpu.memory_space<hbm>>) dst(%arg5 : memref<328x128xf32, #tpu.memory_space<vmem>>)
      %mul3A_135 = arith.constant 328 : i32
      %mul3A_136 = arith.muli %add3A_127, %mul3A_135 : i32
      %add3A_137 = arith.addi %mul3A_2, %mul3A_136 : i32
      %scan3A_138 = arith.constant 0 : i32
      %scan3A_139 = arith.constant 164 : i32
      %scan3A_140 = arith.addi %scan3A_138, %scan3A_139 : i32
      %scan3A_141 = arith.constant 1 : i32
      %scan3A_142:16 = scf.for %scan3A_202 = %scan3A_138 to %scan3A_140 step %scan3A_141 iter_args(%scan3A_203 = %scan3A_108, %scan3A_204 = %scan3A_109, %scan3A_205 = %scan3A_110, %scan3A_206 = %scan3A_111, %scan3A_207 = %scan3A_112, %scan3A_208 = %scan3A_113, %scan3A_209 = %scan3A_114, %scan3A_210 = %scan3A_115, %scan3A_211 = %scan3A_116, %scan3A_212 = %scan3A_117, %scan3A_213 = %scan3A_118, %scan3A_214 = %scan3A_119, %scan3A_215 = %scan3A_120, %scan3A_216 = %scan3A_121, %scan3A_217 = %scan3A_122, %scan3A_218 = %scan3A_123) -> (vector<16xf32>, vector<16xf32>, vector<16xf32>, vector<16xf32>, vector<16xf32>, vector<16xf32>, vector<16xf32>, vector<16xf32>, vector<16xi32>, vector<16xi32>, vector<16xi32>, vector<16xi32>, vector<16xi32>, vector<16xi32>, vector<16xi32>, vector<16xi32>)  : i32 {
        %mul3A_219 = arith.constant 2 : i32
        %mul3A_220 = arith.muli %scan3A_202, %mul3A_219 : i32
        %add3A_221 = arith.constant 0 : i32
        %add3A_222 = arith.addi %mul3A_220, %add3A_221 : i32
        %add3A_223 = arith.addi %add3A_137, %add3A_222 : i32
        %broadcast_in_dim3A_224 = vector.broadcast %add3A_223 : i32 to vector<16xi32>
        %get3A = arith.index_cast %add3A_222 : i32 to index
        %get3A_225 = arith.constant 0 : index
        %get3A_226 = tpu.vector_load %arg5[%get3A, %get3A_225] {strides = array<i32>} : memref<328x128xf32, #tpu.memory_space<vmem>>, vector<16xf32>,
        %gt3A = arith.cmpf ogt, %get3A_226, %scan3A_203 : vector<16xf32>
        %select_n3A = arith.select %gt3A, %get3A_226, %scan3A_203 : vector<16xi1>, vector<16xf32>
        %select_n3A_227 = arith.select %gt3A, %broadcast_in_dim3A_224, %scan3A_211 : vector<16xi1>, vector<16xi32>
        %get3A_228 = arith.index_cast %add3A_222 : i32 to index
        %get3A_229 = arith.constant 16 : index
        %get3A_230 = tpu.vector_load %arg5[%get3A_228, %get3A_229] {strides = array<i32>} : memref<328x128xf32, #tpu.memory_space<vmem>>, vector<16xf32>,
        %gt3A_231 = arith.cmpf ogt, %get3A_230, %scan3A_204 : vector<16xf32>
        %select_n3A_232 = arith.select %gt3A_231, %get3A_230, %scan3A_204 : vector<16xi1>, vector<16xf32>
        %select_n3A_233 = arith.select %gt3A_231, %broadcast_in_dim3A_224, %scan3A_212 : vector<16xi1>, vector<16xi32>
        %get3A_234 = arith.index_cast %add3A_222 : i32 to index
        %get3A_235 = arith.constant 32 : index
        %get3A_236 = tpu.vector_load %arg5[%get3A_234, %get3A_235] {strides = array<i32>} : memref<328x128xf32, #tpu.memory_space<vmem>>, vector<16xf32>,
        %gt3A_237 = arith.cmpf ogt, %get3A_236, %scan3A_205 : vector<16xf32>
        %select_n3A_238 = arith.select %gt3A_237, %get3A_236, %scan3A_205 : vector<16xi1>, vector<16xf32>
        %select_n3A_239 = arith.select %gt3A_237, %broadcast_in_dim3A_224, %scan3A_213 : vector<16xi1>, vector<16xi32>
        %get3A_240 = arith.index_cast %add3A_222 : i32 to index
        %get3A_241 = arith.constant 48 : index
        %get3A_242 = tpu.vector_load %arg5[%get3A_240, %get3A_241] {strides = array<i32>} : memref<328x128xf32, #tpu.memory_space<vmem>>, vector<16xf32>,
        %gt3A_243 = arith.cmpf ogt, %get3A_242, %scan3A_206 : vector<16xf32>
        %select_n3A_244 = arith.select %gt3A_243, %get3A_242, %scan3A_206 : vector<16xi1>, vector<16xf32>
        %select_n3A_245 = arith.select %gt3A_243, %broadcast_in_dim3A_224, %scan3A_214 : vector<16xi1>, vector<16xi32>
        %get3A_246 = arith.index_cast %add3A_222 : i32 to index
        %get3A_247 = arith.constant 64 : index
        %get3A_248 = tpu.vector_load %arg5[%get3A_246, %get3A_247] {strides = array<i32>} : memref<328x128xf32, #tpu.memory_space<vmem>>, vector<16xf32>,
        %gt3A_249 = arith.cmpf ogt, %get3A_248, %scan3A_207 : vector<16xf32>
        %select_n3A_250 = arith.select %gt3A_249, %get3A_248, %scan3A_207 : vector<16xi1>, vector<16xf32>
        %select_n3A_251 = arith.select %gt3A_249, %broadcast_in_dim3A_224, %scan3A_215 : vector<16xi1>, vector<16xi32>
        %get3A_252 = arith.index_cast %add3A_222 : i32 to index
        %get3A_253 = arith.constant 80 : index
        %get3A_254 = tpu.vector_load %arg5[%get3A_252, %get3A_253] {strides = array<i32>} : memref<328x128xf32, #tpu.memory_space<vmem>>, vector<16xf32>,
        %gt3A_255 = arith.cmpf ogt, %get3A_254, %scan3A_208 : vector<16xf32>
        %select_n3A_256 = arith.select %gt3A_255, %get3A_254, %scan3A_208 : vector<16xi1>, vector<16xf32>
        %select_n3A_257 = arith.select %gt3A_255, %broadcast_in_dim3A_224, %scan3A_216 : vector<16xi1>, vector<16xi32>
        %get3A_258 = arith.index_cast %add3A_222 : i32 to index
        %get3A_259 = arith.constant 96 : index
        %get3A_260 = tpu.vector_load %arg5[%get3A_258, %get3A_259] {strides = array<i32>} : memref<328x128xf32, #tpu.memory_space<vmem>>, vector<16xf32>,
        %gt3A_261 = arith.cmpf ogt, %get3A_260, %scan3A_209 : vector<16xf32>
        %select_n3A_262 = arith.select %gt3A_261, %get3A_260, %scan3A_209 : vector<16xi1>, vector<16xf32>
        %select_n3A_263 = arith.select %gt3A_261, %broadcast_in_dim3A_224, %scan3A_217 : vector<16xi1>, vector<16xi32>
        %get3A_264 = arith.index_cast %add3A_222 : i32 to index
        %get3A_265 = arith.constant 112 : index
        %get3A_266 = tpu.vector_load %arg5[%get3A_264, %get3A_265] {strides = array<i32>} : memref<328x128xf32, #tpu.memory_space<vmem>>, vector<16xf32>,
        %gt3A_267 = arith.cmpf ogt, %get3A_266, %scan3A_210 : vector<16xf32>
        %select_n3A_268 = arith.select %gt3A_267, %get3A_266, %scan3A_210 : vector<16xi1>, vector<16xf32>
        %select_n3A_269 = arith.select %gt3A_267, %broadcast_in_dim3A_224, %scan3A_218 : vector<16xi1>, vector<16xi32>
        %mul3A_270 = arith.constant 2 : i32
        %mul3A_271 = arith.muli %scan3A_202, %mul3A_270 : i32
        %add3A_272 = arith.constant 1 : i32
        %add3A_273 = arith.addi %mul3A_271, %add3A_272 : i32
        %add3A_274 = arith.addi %add3A_137, %add3A_273 : i32
        %broadcast_in_dim3A_275 = vector.broadcast %add3A_274 : i32 to vector<16xi32>
        %get3A_276 = arith.index_cast %add3A_273 : i32 to index
        %get3A_277 = arith.constant 0 : index
        %get3A_278 = tpu.vector_load %arg5[%get3A_276, %get3A_277] {strides = array<i32>} : memref<328x128xf32, #tpu.memory_space<vmem>>, vector<16xf32>,
        %gt3A_279 = arith.cmpf ogt, %get3A_278, %select_n3A : vector<16xf32>
        %select_n3A_280 = arith.select %gt3A_279, %get3A_278, %select_n3A : vector<16xi1>, vector<16xf32>
        %select_n3A_281 = arith.select %gt3A_279, %broadcast_in_dim3A_275, %select_n3A_227 : vector<16xi1>, vector<16xi32>
        %get3A_282 = arith.index_cast %add3A_273 : i32 to index
        %get3A_283 = arith.constant 16 : index
        %get3A_284 = tpu.vector_load %arg5[%get3A_282, %get3A_283] {strides = array<i32>} : memref<328x128xf32, #tpu.memory_space<vmem>>, vector<16xf32>,
        %gt3A_285 = arith.cmpf ogt, %get3A_284, %select_n3A_232 : vector<16xf32>
        %select_n3A_286 = arith.select %gt3A_285, %get3A_284, %select_n3A_232 : vector<16xi1>, vector<16xf32>
        %select_n3A_287 = arith.select %gt3A_285, %broadcast_in_dim3A_275, %select_n3A_233 : vector<16xi1>, vector<16xi32>
        %get3A_288 = arith.index_cast %add3A_273 : i32 to index
        %get3A_289 = arith.constant 32 : index
        %get3A_290 = tpu.vector_load %arg5[%get3A_288, %get3A_289] {strides = array<i32>} : memref<328x128xf32, #tpu.memory_space<vmem>>, vector<16xf32>,
        %gt3A_291 = arith.cmpf ogt, %get3A_290, %select_n3A_238 : vector<16xf32>
        %select_n3A_292 = arith.select %gt3A_291, %get3A_290, %select_n3A_238 : vector<16xi1>, vector<16xf32>
        %select_n3A_293 = arith.select %gt3A_291, %broadcast_in_dim3A_275, %select_n3A_239 : vector<16xi1>, vector<16xi32>
        %get3A_294 = arith.index_cast %add3A_273 : i32 to index
        %get3A_295 = arith.constant 48 : index
        %get3A_296 = tpu.vector_load %arg5[%get3A_294, %get3A_295] {strides = array<i32>} : memref<328x128xf32, #tpu.memory_space<vmem>>, vector<16xf32>,
        %gt3A_297 = arith.cmpf ogt, %get3A_296, %select_n3A_244 : vector<16xf32>
        %select_n3A_298 = arith.select %gt3A_297, %get3A_296, %select_n3A_244 : vector<16xi1>, vector<16xf32>
        %select_n3A_299 = arith.select %gt3A_297, %broadcast_in_dim3A_275, %select_n3A_245 : vector<16xi1>, vector<16xi32>
        %get3A_300 = arith.index_cast %add3A_273 : i32 to index
        %get3A_301 = arith.constant 64 : index
        %get3A_302 = tpu.vector_load %arg5[%get3A_300, %get3A_301] {strides = array<i32>} : memref<328x128xf32, #tpu.memory_space<vmem>>, vector<16xf32>,
        %gt3A_303 = arith.cmpf ogt, %get3A_302, %select_n3A_250 : vector<16xf32>
        %select_n3A_304 = arith.select %gt3A_303, %get3A_302, %select_n3A_250 : vector<16xi1>, vector<16xf32>
        %select_n3A_305 = arith.select %gt3A_303, %broadcast_in_dim3A_275, %select_n3A_251 : vector<16xi1>, vector<16xi32>
        %get3A_306 = arith.index_cast %add3A_273 : i32 to index
        %get3A_307 = arith.constant 80 : index
        %get3A_308 = tpu.vector_load %arg5[%get3A_306, %get3A_307] {strides = array<i32>} : memref<328x128xf32, #tpu.memory_space<vmem>>, vector<16xf32>,
        %gt3A_309 = arith.cmpf ogt, %get3A_308, %select_n3A_256 : vector<16xf32>
        %select_n3A_310 = arith.select %gt3A_309, %get3A_308, %select_n3A_256 : vector<16xi1>, vector<16xf32>
        %select_n3A_311 = arith.select %gt3A_309, %broadcast_in_dim3A_275, %select_n3A_257 : vector<16xi1>, vector<16xi32>
        %get3A_312 = arith.index_cast %add3A_273 : i32 to index
        %get3A_313 = arith.constant 96 : index
        %get3A_314 = tpu.vector_load %arg5[%get3A_312, %get3A_313] {strides = array<i32>} : memref<328x128xf32, #tpu.memory_space<vmem>>, vector<16xf32>,
        %gt3A_315 = arith.cmpf ogt, %get3A_314, %select_n3A_262 : vector<16xf32>
        %select_n3A_316 = arith.select %gt3A_315, %get3A_314, %select_n3A_262 : vector<16xi1>, vector<16xf32>
        %select_n3A_317 = arith.select %gt3A_315, %broadcast_in_dim3A_275, %select_n3A_263 : vector<16xi1>, vector<16xi32>
        %get3A_318 = arith.index_cast %add3A_273 : i32 to index
        %get3A_319 = arith.constant 112 : index
        %get3A_320 = tpu.vector_load %arg5[%get3A_318, %get3A_319] {strides = array<i32>} : memref<328x128xf32, #tpu.memory_space<vmem>>, vector<16xf32>,
        %gt3A_321 = arith.cmpf ogt, %get3A_320, %select_n3A_268 : vector<16xf32>
        %select_n3A_322 = arith.select %gt3A_321, %get3A_320, %select_n3A_268 : vector<16xi1>, vector<16xf32>
        %select_n3A_323 = arith.select %gt3A_321, %broadcast_in_dim3A_275, %select_n3A_269 : vector<16xi1>, vector<16xi32>
        scf.yield %select_n3A_280, %select_n3A_286, %select_n3A_292, %select_n3A_298, %select_n3A_304, %select_n3A_310, %select_n3A_316, %select_n3A_322, %select_n3A_281, %select_n3A_287, %select_n3A_293, %select_n3A_299, %select_n3A_305, %select_n3A_311, %select_n3A_317, %select_n3A_323 : vector<16xf32>, vector<16xf32>, vector<16xf32>, vector<16xf32>, vector<16xf32>, vector<16xf32>, vector<16xf32>, vector<16xf32>, vector<16xi32>, vector<16xi32>, vector<16xi32>, vector<16xi32>, vector<16xi32>, vector<16xi32>, vector<16xi32>, vector<16xi32>
      }
      %scan3A_143 = arith.constant 164 : i32
      %add3A_144 = arith.constant 3 : i32
      %add3A_145 = arith.addi %add3A_127, %add3A_144 : i32
      %lt3A = arith.constant 10 : i32
      %lt3A_146 = arith.cmpi slt, %add3A_145, %lt3A : i32
      %convert_element_type3A = arith.extui %lt3A_146 : i1 to i32
      %cond3A = arith.constant 0 : i32
      %cond3A_147 = arith.cmpi ne, %convert_element_type3A, %cond3A : i32
      scf.if %cond3A_147 {
        %add3A_202 = arith.constant 3 : i32
        %add3A_203 = arith.addi %add3A_127, %add3A_202 : i32
        %mul3A_204 = arith.constant 328 : i32
        %mul3A_205 = arith.muli %add3A_203, %mul3A_204 : i32
        %add3A_206 = arith.addi %mul3A_2, %mul3A_205 : i32
        %multiple_of3A_207 = tpu.assume_multiple %add3A_206, 8 : i32
        %dma_start3A_208 = arith.constant 0 : i32
        %dma_start3A_209 = tpu.memref_slice %arg2[%multiple_of3A_207, %dma_start3A_208] : memref<100000x128xf32, #tpu.memory_space<hbm>> -> memref<328x128xf32, #tpu.memory_space<hbm>>
        %dma_start3A_210 = arith.constant 0 : i32
        %dma_start3A_211 = tpu.memref_slice %arg2[%multiple_of3A_207, %dma_start3A_210] : memref<100000x128xf32, #tpu.memory_space<hbm>> -> memref<328x128xf32, #tpu.memory_space<hbm>>
        tpu.enqueue_dma source(%dma_start3A_211 : memref<328x128xf32, #tpu.memory_space<hbm>>) target(%arg5 : memref<328x128xf32, #tpu.memory_space<vmem>>) target_semaphore(%arg10 : memref<!tpu.dma_semaphore, #tpu.memory_space<semaphore_mem>>)
      } else {
      }
      %mul3A_148 = arith.constant 3 : i32
      %mul3A_149 = arith.muli %scan3A_107, %mul3A_148 : i32
      %add3A_150 = arith.constant 1 : i32
      %add3A_151 = arith.addi %mul3A_149, %add3A_150 : i32
      %add3A_152 = arith.constant 0 : i32
      %add3A_153 = arith.addi %mul3A_2, %add3A_152 : i32
      %multiple_of3A_154 = tpu.assume_multiple %add3A_153, 8 : i32
      %dma_wait3A_155 = arith.constant 0 : i32
      %dma_wait3A_156 = tpu.memref_slice %arg2[%multiple_of3A_154, %dma_wait3A_155] : memref<100000x128xf32, #tpu.memory_space<hbm>> -> memref<328x128xf32, #tpu.memory_space<hbm>>
      %dma_wait3A_157 = arith.constant 0 : i32
      %dma_wait3A_158 = tpu.memref_slice %arg2[%multiple_of3A_154, %dma_wait3A_157] : memref<100000x128xf32, #tpu.memory_space<hbm>> -> memref<328x128xf32, #tpu.memory_space<hbm>>
      tpu.wait_dma2 semaphore(%arg11 : memref<!tpu.dma_semaphore, #tpu.memory_space<semaphore_mem>>) src(%dma_wait3A_158 : memref<328x128xf32, #tpu.memory_space<hbm>>) dst(%arg6 : memref<328x128xf32, #tpu.memory_space<vmem>>)
      %mul3A_159 = arith.constant 328 : i32
      %mul3A_160 = arith.muli %add3A_151, %mul3A_159 : i32
      %add3A_161 = arith.addi %mul3A_2, %mul3A_160 : i32
      %scan3A_162 = arith.constant 0 : i32
      %scan3A_163 = arith.constant 164 : i32
      %scan3A_164 = arith.addi %scan3A_162, %scan3A_163 : i32
      %scan3A_165 = arith.constant 1 : i32
      %scan3A_166:16 = scf.for %scan3A_202 = %scan3A_162 to %scan3A_164 step %scan3A_165 iter_args(%scan3A_203 = %scan3A_142#0, %scan3A_204 = %scan3A_142#1, %scan3A_205 = %scan3A_142#2, %scan3A_206 = %scan3A_142#3, %scan3A_207 = %scan3A_142#4, %scan3A_208 = %scan3A_142#5, %scan3A_209 = %scan3A_142#6, %scan3A_210 = %scan3A_142#7, %scan3A_211 = %scan3A_142#8, %scan3A_212 = %scan3A_142#9, %scan3A_213 = %scan3A_142#10, %scan3A_214 = %scan3A_142#11, %scan3A_215 = %scan3A_142#12, %scan3A_216 = %scan3A_142#13, %scan3A_217 = %scan3A_142#14, %scan3A_218 = %scan3A_142#15) -> (vector<16xf32>, vector<16xf32>, vector<16xf32>, vector<16xf32>, vector<16xf32>, vector<16xf32>, vector<16xf32>, vector<16xf32>, vector<16xi32>, vector<16xi32>, vector<16xi32>, vector<16xi32>, vector<16xi32>, vector<16xi32>, vector<16xi32>, vector<16xi32>)  : i32 {
        %mul3A_219 = arith.constant 2 : i32
        %mul3A_220 = arith.muli %scan3A_202, %mul3A_219 : i32
        %add3A_221 = arith.constant 0 : i32
        %add3A_222 = arith.addi %mul3A_220, %add3A_221 : i32
        %add3A_223 = arith.addi %add3A_161, %add3A_222 : i32
        %broadcast_in_dim3A_224 = vector.broadcast %add3A_223 : i32 to vector<16xi32>
        %get3A = arith.index_cast %add3A_222 : i32 to index
        %get3A_225 = arith.constant 0 : index
        %get3A_226 = tpu.vector_load %arg6[%get3A, %get3A_225] {strides = array<i32>} : memref<328x128xf32, #tpu.memory_space<vmem>>, vector<16xf32>,
        %gt3A = arith.cmpf ogt, %get3A_226, %scan3A_203 : vector<16xf32>
        %select_n3A = arith.select %gt3A, %get3A_226, %scan3A_203 : vector<16xi1>, vector<16xf32>
        %select_n3A_227 = arith.select %gt3A, %broadcast_in_dim3A_224, %scan3A_211 : vector<16xi1>, vector<16xi32>
        %get3A_228 = arith.index_cast %add3A_222 : i32 to index
        %get3A_229 = arith.constant 16 : index
        %get3A_230 = tpu.vector_load %arg6[%get3A_228, %get3A_229] {strides = array<i32>} : memref<328x128xf32, #tpu.memory_space<vmem>>, vector<16xf32>,
        %gt3A_231 = arith.cmpf ogt, %get3A_230, %scan3A_204 : vector<16xf32>
        %select_n3A_232 = arith.select %gt3A_231, %get3A_230, %scan3A_204 : vector<16xi1>, vector<16xf32>
        %select_n3A_233 = arith.select %gt3A_231, %broadcast_in_dim3A_224, %scan3A_212 : vector<16xi1>, vector<16xi32>
        %get3A_234 = arith.index_cast %add3A_222 : i32 to index
        %get3A_235 = arith.constant 32 : index
        %get3A_236 = tpu.vector_load %arg6[%get3A_234, %get3A_235] {strides = array<i32>} : memref<328x128xf32, #tpu.memory_space<vmem>>, vector<16xf32>,
        %gt3A_237 = arith.cmpf ogt, %get3A_236, %scan3A_205 : vector<16xf32>
        %select_n3A_238 = arith.select %gt3A_237, %get3A_236, %scan3A_205 : vector<16xi1>, vector<16xf32>
        %select_n3A_239 = arith.select %gt3A_237, %broadcast_in_dim3A_224, %scan3A_213 : vector<16xi1>, vector<16xi32>
        %get3A_240 = arith.index_cast %add3A_222 : i32 to index
        %get3A_241 = arith.constant 48 : index
        %get3A_242 = tpu.vector_load %arg6[%get3A_240, %get3A_241] {strides = array<i32>} : memref<328x128xf32, #tpu.memory_space<vmem>>, vector<16xf32>,
        %gt3A_243 = arith.cmpf ogt, %get3A_242, %scan3A_206 : vector<16xf32>
        %select_n3A_244 = arith.select %gt3A_243, %get3A_242, %scan3A_206 : vector<16xi1>, vector<16xf32>
        %select_n3A_245 = arith.select %gt3A_243, %broadcast_in_dim3A_224, %scan3A_214 : vector<16xi1>, vector<16xi32>
        %get3A_246 = arith.index_cast %add3A_222 : i32 to index
        %get3A_247 = arith.constant 64 : index
        %get3A_248 = tpu.vector_load %arg6[%get3A_246, %get3A_247] {strides = array<i32>} : memref<328x128xf32, #tpu.memory_space<vmem>>, vector<16xf32>,
        %gt3A_249 = arith.cmpf ogt, %get3A_248, %scan3A_207 : vector<16xf32>
        %select_n3A_250 = arith.select %gt3A_249, %get3A_248, %scan3A_207 : vector<16xi1>, vector<16xf32>
        %select_n3A_251 = arith.select %gt3A_249, %broadcast_in_dim3A_224, %scan3A_215 : vector<16xi1>, vector<16xi32>
        %get3A_252 = arith.index_cast %add3A_222 : i32 to index
        %get3A_253 = arith.constant 80 : index
        %get3A_254 = tpu.vector_load %arg6[%get3A_252, %get3A_253] {strides = array<i32>} : memref<328x128xf32, #tpu.memory_space<vmem>>, vector<16xf32>,
        %gt3A_255 = arith.cmpf ogt, %get3A_254, %scan3A_208 : vector<16xf32>
        %select_n3A_256 = arith.select %gt3A_255, %get3A_254, %scan3A_208 : vector<16xi1>, vector<16xf32>
        %select_n3A_257 = arith.select %gt3A_255, %broadcast_in_dim3A_224, %scan3A_216 : vector<16xi1>, vector<16xi32>
        %get3A_258 = arith.index_cast %add3A_222 : i32 to index
        %get3A_259 = arith.constant 96 : index
        %get3A_260 = tpu.vector_load %arg6[%get3A_258, %get3A_259] {strides = array<i32>} : memref<328x128xf32, #tpu.memory_space<vmem>>, vector<16xf32>,
        %gt3A_261 = arith.cmpf ogt, %get3A_260, %scan3A_209 : vector<16xf32>
        %select_n3A_262 = arith.select %gt3A_261, %get3A_260, %scan3A_209 : vector<16xi1>, vector<16xf32>
        %select_n3A_263 = arith.select %gt3A_261, %broadcast_in_dim3A_224, %scan3A_217 : vector<16xi1>, vector<16xi32>
        %get3A_264 = arith.index_cast %add3A_222 : i32 to index
        %get3A_265 = arith.constant 112 : index
        %get3A_266 = tpu.vector_load %arg6[%get3A_264, %get3A_265] {strides = array<i32>} : memref<328x128xf32, #tpu.memory_space<vmem>>, vector<16xf32>,
        %gt3A_267 = arith.cmpf ogt, %get3A_266, %scan3A_210 : vector<16xf32>
        %select_n3A_268 = arith.select %gt3A_267, %get3A_266, %scan3A_210 : vector<16xi1>, vector<16xf32>
        %select_n3A_269 = arith.select %gt3A_267, %broadcast_in_dim3A_224, %scan3A_218 : vector<16xi1>, vector<16xi32>
        %mul3A_270 = arith.constant 2 : i32
        %mul3A_271 = arith.muli %scan3A_202, %mul3A_270 : i32
        %add3A_272 = arith.constant 1 : i32
        %add3A_273 = arith.addi %mul3A_271, %add3A_272 : i32
        %add3A_274 = arith.addi %add3A_161, %add3A_273 : i32
        %broadcast_in_dim3A_275 = vector.broadcast %add3A_274 : i32 to vector<16xi32>
        %get3A_276 = arith.index_cast %add3A_273 : i32 to index
        %get3A_277 = arith.constant 0 : index
        %get3A_278 = tpu.vector_load %arg6[%get3A_276, %get3A_277] {strides = array<i32>} : memref<328x128xf32, #tpu.memory_space<vmem>>, vector<16xf32>,
        %gt3A_279 = arith.cmpf ogt, %get3A_278, %select_n3A : vector<16xf32>
        %select_n3A_280 = arith.select %gt3A_279, %get3A_278, %select_n3A : vector<16xi1>, vector<16xf32>
        %select_n3A_281 = arith.select %gt3A_279, %broadcast_in_dim3A_275, %select_n3A_227 : vector<16xi1>, vector<16xi32>
        %get3A_282 = arith.index_cast %add3A_273 : i32 to index
        %get3A_283 = arith.constant 16 : index
        %get3A_284 = tpu.vector_load %arg6[%get3A_282, %get3A_283] {strides = array<i32>} : memref<328x128xf32, #tpu.memory_space<vmem>>, vector<16xf32>,
        %gt3A_285 = arith.cmpf ogt, %get3A_284, %select_n3A_232 : vector<16xf32>
        %select_n3A_286 = arith.select %gt3A_285, %get3A_284, %select_n3A_232 : vector<16xi1>, vector<16xf32>
        %select_n3A_287 = arith.select %gt3A_285, %broadcast_in_dim3A_275, %select_n3A_233 : vector<16xi1>, vector<16xi32>
        %get3A_288 = arith.index_cast %add3A_273 : i32 to index
        %get3A_289 = arith.constant 32 : index
        %get3A_290 = tpu.vector_load %arg6[%get3A_288, %get3A_289] {strides = array<i32>} : memref<328x128xf32, #tpu.memory_space<vmem>>, vector<16xf32>,
        %gt3A_291 = arith.cmpf ogt, %get3A_290, %select_n3A_238 : vector<16xf32>
        %select_n3A_292 = arith.select %gt3A_291, %get3A_290, %select_n3A_238 : vector<16xi1>, vector<16xf32>
        %select_n3A_293 = arith.select %gt3A_291, %broadcast_in_dim3A_275, %select_n3A_239 : vector<16xi1>, vector<16xi32>
        %get3A_294 = arith.index_cast %add3A_273 : i32 to index
        %get3A_295 = arith.constant 48 : index
        %get3A_296 = tpu.vector_load %arg6[%get3A_294, %get3A_295] {strides = array<i32>} : memref<328x128xf32, #tpu.memory_space<vmem>>, vector<16xf32>,
        %gt3A_297 = arith.cmpf ogt, %get3A_296, %select_n3A_244 : vector<16xf32>
        %select_n3A_298 = arith.select %gt3A_297, %get3A_296, %select_n3A_244 : vector<16xi1>, vector<16xf32>
        %select_n3A_299 = arith.select %gt3A_297, %broadcast_in_dim3A_275, %select_n3A_245 : vector<16xi1>, vector<16xi32>
        %get3A_300 = arith.index_cast %add3A_273 : i32 to index
        %get3A_301 = arith.constant 64 : index
        %get3A_302 = tpu.vector_load %arg6[%get3A_300, %get3A_301] {strides = array<i32>} : memref<328x128xf32, #tpu.memory_space<vmem>>, vector<16xf32>,
        %gt3A_303 = arith.cmpf ogt, %get3A_302, %select_n3A_250 : vector<16xf32>
        %select_n3A_304 = arith.select %gt3A_303, %get3A_302, %select_n3A_250 : vector<16xi1>, vector<16xf32>
        %select_n3A_305 = arith.select %gt3A_303, %broadcast_in_dim3A_275, %select_n3A_251 : vector<16xi1>, vector<16xi32>
        %get3A_306 = arith.index_cast %add3A_273 : i32 to index
        %get3A_307 = arith.constant 80 : index
        %get3A_308 = tpu.vector_load %arg6[%get3A_306, %get3A_307] {strides = array<i32>} : memref<328x128xf32, #tpu.memory_space<vmem>>, vector<16xf32>,
        %gt3A_309 = arith.cmpf ogt, %get3A_308, %select_n3A_256 : vector<16xf32>
        %select_n3A_310 = arith.select %gt3A_309, %get3A_308, %select_n3A_256 : vector<16xi1>, vector<16xf32>
        %select_n3A_311 = arith.select %gt3A_309, %broadcast_in_dim3A_275, %select_n3A_257 : vector<16xi1>, vector<16xi32>
        %get3A_312 = arith.index_cast %add3A_273 : i32 to index
        %get3A_313 = arith.constant 96 : index
        %get3A_314 = tpu.vector_load %arg6[%get3A_312, %get3A_313] {strides = array<i32>} : memref<328x128xf32, #tpu.memory_space<vmem>>, vector<16xf32>,
        %gt3A_315 = arith.cmpf ogt, %get3A_314, %select_n3A_262 : vector<16xf32>
        %select_n3A_316 = arith.select %gt3A_315, %get3A_314, %select_n3A_262 : vector<16xi1>, vector<16xf32>
        %select_n3A_317 = arith.select %gt3A_315, %broadcast_in_dim3A_275, %select_n3A_263 : vector<16xi1>, vector<16xi32>
        %get3A_318 = arith.index_cast %add3A_273 : i32 to index
        %get3A_319 = arith.constant 112 : index
        %get3A_320 = tpu.vector_load %arg6[%get3A_318, %get3A_319] {strides = array<i32>} : memref<328x128xf32, #tpu.memory_space<vmem>>, vector<16xf32>,
        %gt3A_321 = arith.cmpf ogt, %get3A_320, %select_n3A_268 : vector<16xf32>
        %select_n3A_322 = arith.select %gt3A_321, %get3A_320, %select_n3A_268 : vector<16xi1>, vector<16xf32>
        %select_n3A_323 = arith.select %gt3A_321, %broadcast_in_dim3A_275, %select_n3A_269 : vector<16xi1>, vector<16xi32>
        scf.yield %select_n3A_280, %select_n3A_286, %select_n3A_292, %select_n3A_298, %select_n3A_304, %select_n3A_310, %select_n3A_316, %select_n3A_322, %select_n3A_281, %select_n3A_287, %select_n3A_293, %select_n3A_299, %select_n3A_305, %select_n3A_311, %select_n3A_317, %select_n3A_323 : vector<16xf32>, vector<16xf32>, vector<16xf32>, vector<16xf32>, vector<16xf32>, vector<16xf32>, vector<16xf32>, vector<16xf32>, vector<16xi32>, vector<16xi32>, vector<16xi32>, vector<16xi32>, vector<16xi32>, vector<16xi32>, vector<16xi32>, vector<16xi32>
      }
      %scan3A_167 = arith.constant 164 : i32
      %add3A_168 = arith.constant 3 : i32
      %add3A_169 = arith.addi %add3A_151, %add3A_168 : i32
      %lt3A_170 = arith.constant 10 : i32
      %lt3A_171 = arith.cmpi slt, %add3A_169, %lt3A_170 : i32
      %convert_element_type3A_172 = arith.extui %lt3A_171 : i1 to i32
      %cond3A_173 = arith.constant 0 : i32
      %cond3A_174 = arith.cmpi ne, %convert_element_type3A_172, %cond3A_173 : i32
      scf.if %cond3A_174 {
        %add3A_202 = arith.constant 3 : i32
        %add3A_203 = arith.addi %add3A_151, %add3A_202 : i32
        %mul3A_204 = arith.constant 328 : i32
        %mul3A_205 = arith.muli %add3A_203, %mul3A_204 : i32
        %add3A_206 = arith.addi %mul3A_2, %mul3A_205 : i32
        %multiple_of3A_207 = tpu.assume_multiple %add3A_206, 8 : i32
        %dma_start3A_208 = arith.constant 0 : i32
        %dma_start3A_209 = tpu.memref_slice %arg2[%multiple_of3A_207, %dma_start3A_208] : memref<100000x128xf32, #tpu.memory_space<hbm>> -> memref<328x128xf32, #tpu.memory_space<hbm>>
        %dma_start3A_210 = arith.constant 0 : i32
        %dma_start3A_211 = tpu.memref_slice %arg2[%multiple_of3A_207, %dma_start3A_210] : memref<100000x128xf32, #tpu.memory_space<hbm>> -> memref<328x128xf32, #tpu.memory_space<hbm>>
        tpu.enqueue_dma source(%dma_start3A_211 : memref<328x128xf32, #tpu.memory_space<hbm>>) target(%arg6 : memref<328x128xf32, #tpu.memory_space<vmem>>) target_semaphore(%arg11 : memref<!tpu.dma_semaphore, #tpu.memory_space<semaphore_mem>>)
      } else {
      }
      %mul3A_175 = arith.constant 3 : i32
      %mul3A_176 = arith.muli %scan3A_107, %mul3A_175 : i32
      %add3A_177 = arith.constant 2 : i32
      %add3A_178 = arith.addi %mul3A_176, %add3A_177 : i32
      %add3A_179 = arith.constant 0 : i32
      %add3A_180 = arith.addi %mul3A_2, %add3A_179 : i32
      %multiple_of3A_181 = tpu.assume_multiple %add3A_180, 8 : i32
      %dma_wait3A_182 = arith.constant 0 : i32
      %dma_wait3A_183 = tpu.memref_slice %arg2[%multiple_of3A_181, %dma_wait3A_182] : memref<100000x128xf32, #tpu.memory_space<hbm>> -> memref<328x128xf32, #tpu.memory_space<hbm>>
      %dma_wait3A_184 = arith.constant 0 : i32
      %dma_wait3A_185 = tpu.memref_slice %arg2[%multiple_of3A_181, %dma_wait3A_184] : memref<100000x128xf32, #tpu.memory_space<hbm>> -> memref<328x128xf32, #tpu.memory_space<hbm>>
      tpu.wait_dma2 semaphore(%arg12 : memref<!tpu.dma_semaphore, #tpu.memory_space<semaphore_mem>>) src(%dma_wait3A_185 : memref<328x128xf32, #tpu.memory_space<hbm>>) dst(%arg7 : memref<328x128xf32, #tpu.memory_space<vmem>>)
      %mul3A_186 = arith.constant 328 : i32
      %mul3A_187 = arith.muli %add3A_178, %mul3A_186 : i32
      %add3A_188 = arith.addi %mul3A_2, %mul3A_187 : i32
      %scan3A_189 = arith.constant 0 : i32
      %scan3A_190 = arith.constant 164 : i32
      %scan3A_191 = arith.addi %scan3A_189, %scan3A_190 : i32
      %scan3A_192 = arith.constant 1 : i32
      %scan3A_193:16 = scf.for %scan3A_202 = %scan3A_189 to %scan3A_191 step %scan3A_192 iter_args(%scan3A_203 = %scan3A_166#0, %scan3A_204 = %scan3A_166#1, %scan3A_205 = %scan3A_166#2, %scan3A_206 = %scan3A_166#3, %scan3A_207 = %scan3A_166#4, %scan3A_208 = %scan3A_166#5, %scan3A_209 = %scan3A_166#6, %scan3A_210 = %scan3A_166#7, %scan3A_211 = %scan3A_166#8, %scan3A_212 = %scan3A_166#9, %scan3A_213 = %scan3A_166#10, %scan3A_214 = %scan3A_166#11, %scan3A_215 = %scan3A_166#12, %scan3A_216 = %scan3A_166#13, %scan3A_217 = %scan3A_166#14, %scan3A_218 = %scan3A_166#15) -> (vector<16xf32>, vector<16xf32>, vector<16xf32>, vector<16xf32>, vector<16xf32>, vector<16xf32>, vector<16xf32>, vector<16xf32>, vector<16xi32>, vector<16xi32>, vector<16xi32>, vector<16xi32>, vector<16xi32>, vector<16xi32>, vector<16xi32>, vector<16xi32>)  : i32 {
        %mul3A_219 = arith.constant 2 : i32
        %mul3A_220 = arith.muli %scan3A_202, %mul3A_219 : i32
        %add3A_221 = arith.constant 0 : i32
        %add3A_222 = arith.addi %mul3A_220, %add3A_221 : i32
        %add3A_223 = arith.addi %add3A_188, %add3A_222 : i32
        %broadcast_in_dim3A_224 = vector.broadcast %add3A_223 : i32 to vector<16xi32>
        %get3A = arith.index_cast %add3A_222 : i32 to index
        %get3A_225 = arith.constant 0 : index
        %get3A_226 = tpu.vector_load %arg7[%get3A, %get3A_225] {strides = array<i32>} : memref<328x128xf32, #tpu.memory_space<vmem>>, vector<16xf32>,
        %gt3A = arith.cmpf ogt, %get3A_226, %scan3A_203 : vector<16xf32>
        %select_n3A = arith.select %gt3A, %get3A_226, %scan3A_203 : vector<16xi1>, vector<16xf32>
        %select_n3A_227 = arith.select %gt3A, %broadcast_in_dim3A_224, %scan3A_211 : vector<16xi1>, vector<16xi32>
        %get3A_228 = arith.index_cast %add3A_222 : i32 to index
        %get3A_229 = arith.constant 16 : index
        %get3A_230 = tpu.vector_load %arg7[%get3A_228, %get3A_229] {strides = array<i32>} : memref<328x128xf32, #tpu.memory_space<vmem>>, vector<16xf32>,
        %gt3A_231 = arith.cmpf ogt, %get3A_230, %scan3A_204 : vector<16xf32>
        %select_n3A_232 = arith.select %gt3A_231, %get3A_230, %scan3A_204 : vector<16xi1>, vector<16xf32>
        %select_n3A_233 = arith.select %gt3A_231, %broadcast_in_dim3A_224, %scan3A_212 : vector<16xi1>, vector<16xi32>
        %get3A_234 = arith.index_cast %add3A_222 : i32 to index
        %get3A_235 = arith.constant 32 : index
        %get3A_236 = tpu.vector_load %arg7[%get3A_234, %get3A_235] {strides = array<i32>} : memref<328x128xf32, #tpu.memory_space<vmem>>, vector<16xf32>,
        %gt3A_237 = arith.cmpf ogt, %get3A_236, %scan3A_205 : vector<16xf32>
        %select_n3A_238 = arith.select %gt3A_237, %get3A_236, %scan3A_205 : vector<16xi1>, vector<16xf32>
        %select_n3A_239 = arith.select %gt3A_237, %broadcast_in_dim3A_224, %scan3A_213 : vector<16xi1>, vector<16xi32>
        %get3A_240 = arith.index_cast %add3A_222 : i32 to index
        %get3A_241 = arith.constant 48 : index
        %get3A_242 = tpu.vector_load %arg7[%get3A_240, %get3A_241] {strides = array<i32>} : memref<328x128xf32, #tpu.memory_space<vmem>>, vector<16xf32>,
        %gt3A_243 = arith.cmpf ogt, %get3A_242, %scan3A_206 : vector<16xf32>
        %select_n3A_244 = arith.select %gt3A_243, %get3A_242, %scan3A_206 : vector<16xi1>, vector<16xf32>
        %select_n3A_245 = arith.select %gt3A_243, %broadcast_in_dim3A_224, %scan3A_214 : vector<16xi1>, vector<16xi32>
        %get3A_246 = arith.index_cast %add3A_222 : i32 to index
        %get3A_247 = arith.constant 64 : index
        %get3A_248 = tpu.vector_load %arg7[%get3A_246, %get3A_247] {strides = array<i32>} : memref<328x128xf32, #tpu.memory_space<vmem>>, vector<16xf32>,
        %gt3A_249 = arith.cmpf ogt, %get3A_248, %scan3A_207 : vector<16xf32>
        %select_n3A_250 = arith.select %gt3A_249, %get3A_248, %scan3A_207 : vector<16xi1>, vector<16xf32>
        %select_n3A_251 = arith.select %gt3A_249, %broadcast_in_dim3A_224, %scan3A_215 : vector<16xi1>, vector<16xi32>
        %get3A_252 = arith.index_cast %add3A_222 : i32 to index
        %get3A_253 = arith.constant 80 : index
        %get3A_254 = tpu.vector_load %arg7[%get3A_252, %get3A_253] {strides = array<i32>} : memref<328x128xf32, #tpu.memory_space<vmem>>, vector<16xf32>,
        %gt3A_255 = arith.cmpf ogt, %get3A_254, %scan3A_208 : vector<16xf32>
        %select_n3A_256 = arith.select %gt3A_255, %get3A_254, %scan3A_208 : vector<16xi1>, vector<16xf32>
        %select_n3A_257 = arith.select %gt3A_255, %broadcast_in_dim3A_224, %scan3A_216 : vector<16xi1>, vector<16xi32>
        %get3A_258 = arith.index_cast %add3A_222 : i32 to index
        %get3A_259 = arith.constant 96 : index
        %get3A_260 = tpu.vector_load %arg7[%get3A_258, %get3A_259] {strides = array<i32>} : memref<328x128xf32, #tpu.memory_space<vmem>>, vector<16xf32>,
        %gt3A_261 = arith.cmpf ogt, %get3A_260, %scan3A_209 : vector<16xf32>
        %select_n3A_262 = arith.select %gt3A_261, %get3A_260, %scan3A_209 : vector<16xi1>, vector<16xf32>
        %select_n3A_263 = arith.select %gt3A_261, %broadcast_in_dim3A_224, %scan3A_217 : vector<16xi1>, vector<16xi32>
        %get3A_264 = arith.index_cast %add3A_222 : i32 to index
        %get3A_265 = arith.constant 112 : index
        %get3A_266 = tpu.vector_load %arg7[%get3A_264, %get3A_265] {strides = array<i32>} : memref<328x128xf32, #tpu.memory_space<vmem>>, vector<16xf32>,
        %gt3A_267 = arith.cmpf ogt, %get3A_266, %scan3A_210 : vector<16xf32>
        %select_n3A_268 = arith.select %gt3A_267, %get3A_266, %scan3A_210 : vector<16xi1>, vector<16xf32>
        %select_n3A_269 = arith.select %gt3A_267, %broadcast_in_dim3A_224, %scan3A_218 : vector<16xi1>, vector<16xi32>
        %mul3A_270 = arith.constant 2 : i32
        %mul3A_271 = arith.muli %scan3A_202, %mul3A_270 : i32
        %add3A_272 = arith.constant 1 : i32
        %add3A_273 = arith.addi %mul3A_271, %add3A_272 : i32
        %add3A_274 = arith.addi %add3A_188, %add3A_273 : i32
        %broadcast_in_dim3A_275 = vector.broadcast %add3A_274 : i32 to vector<16xi32>
        %get3A_276 = arith.index_cast %add3A_273 : i32 to index
        %get3A_277 = arith.constant 0 : index
        %get3A_278 = tpu.vector_load %arg7[%get3A_276, %get3A_277] {strides = array<i32>} : memref<328x128xf32, #tpu.memory_space<vmem>>, vector<16xf32>,
        %gt3A_279 = arith.cmpf ogt, %get3A_278, %select_n3A : vector<16xf32>
        %select_n3A_280 = arith.select %gt3A_279, %get3A_278, %select_n3A : vector<16xi1>, vector<16xf32>
        %select_n3A_281 = arith.select %gt3A_279, %broadcast_in_dim3A_275, %select_n3A_227 : vector<16xi1>, vector<16xi32>
        %get3A_282 = arith.index_cast %add3A_273 : i32 to index
        %get3A_283 = arith.constant 16 : index
        %get3A_284 = tpu.vector_load %arg7[%get3A_282, %get3A_283] {strides = array<i32>} : memref<328x128xf32, #tpu.memory_space<vmem>>, vector<16xf32>,
        %gt3A_285 = arith.cmpf ogt, %get3A_284, %select_n3A_232 : vector<16xf32>
        %select_n3A_286 = arith.select %gt3A_285, %get3A_284, %select_n3A_232 : vector<16xi1>, vector<16xf32>
        %select_n3A_287 = arith.select %gt3A_285, %broadcast_in_dim3A_275, %select_n3A_233 : vector<16xi1>, vector<16xi32>
        %get3A_288 = arith.index_cast %add3A_273 : i32 to index
        %get3A_289 = arith.constant 32 : index
        %get3A_290 = tpu.vector_load %arg7[%get3A_288, %get3A_289] {strides = array<i32>} : memref<328x128xf32, #tpu.memory_space<vmem>>, vector<16xf32>,
        %gt3A_291 = arith.cmpf ogt, %get3A_290, %select_n3A_238 : vector<16xf32>
        %select_n3A_292 = arith.select %gt3A_291, %get3A_290, %select_n3A_238 : vector<16xi1>, vector<16xf32>
        %select_n3A_293 = arith.select %gt3A_291, %broadcast_in_dim3A_275, %select_n3A_239 : vector<16xi1>, vector<16xi32>
        %get3A_294 = arith.index_cast %add3A_273 : i32 to index
        %get3A_295 = arith.constant 48 : index
        %get3A_296 = tpu.vector_load %arg7[%get3A_294, %get3A_295] {strides = array<i32>} : memref<328x128xf32, #tpu.memory_space<vmem>>, vector<16xf32>,
        %gt3A_297 = arith.cmpf ogt, %get3A_296, %select_n3A_244 : vector<16xf32>
        %select_n3A_298 = arith.select %gt3A_297, %get3A_296, %select_n3A_244 : vector<16xi1>, vector<16xf32>
        %select_n3A_299 = arith.select %gt3A_297, %broadcast_in_dim3A_275, %select_n3A_245 : vector<16xi1>, vector<16xi32>
        %get3A_300 = arith.index_cast %add3A_273 : i32 to index
        %get3A_301 = arith.constant 64 : index
        %get3A_302 = tpu.vector_load %arg7[%get3A_300, %get3A_301] {strides = array<i32>} : memref<328x128xf32, #tpu.memory_space<vmem>>, vector<16xf32>,
        %gt3A_303 = arith.cmpf ogt, %get3A_302, %select_n3A_250 : vector<16xf32>
        %select_n3A_304 = arith.select %gt3A_303, %get3A_302, %select_n3A_250 : vector<16xi1>, vector<16xf32>
        %select_n3A_305 = arith.select %gt3A_303, %broadcast_in_dim3A_275, %select_n3A_251 : vector<16xi1>, vector<16xi32>
        %get3A_306 = arith.index_cast %add3A_273 : i32 to index
        %get3A_307 = arith.constant 80 : index
        %get3A_308 = tpu.vector_load %arg7[%get3A_306, %get3A_307] {strides = array<i32>} : memref<328x128xf32, #tpu.memory_space<vmem>>, vector<16xf32>,
        %gt3A_309 = arith.cmpf ogt, %get3A_308, %select_n3A_256 : vector<16xf32>
        %select_n3A_310 = arith.select %gt3A_309, %get3A_308, %select_n3A_256 : vector<16xi1>, vector<16xf32>
        %select_n3A_311 = arith.select %gt3A_309, %broadcast_in_dim3A_275, %select_n3A_257 : vector<16xi1>, vector<16xi32>
        %get3A_312 = arith.index_cast %add3A_273 : i32 to index
        %get3A_313 = arith.constant 96 : index
        %get3A_314 = tpu.vector_load %arg7[%get3A_312, %get3A_313] {strides = array<i32>} : memref<328x128xf32, #tpu.memory_space<vmem>>, vector<16xf32>,
        %gt3A_315 = arith.cmpf ogt, %get3A_314, %select_n3A_262 : vector<16xf32>
        %select_n3A_316 = arith.select %gt3A_315, %get3A_314, %select_n3A_262 : vector<16xi1>, vector<16xf32>
        %select_n3A_317 = arith.select %gt3A_315, %broadcast_in_dim3A_275, %select_n3A_263 : vector<16xi1>, vector<16xi32>
        %get3A_318 = arith.index_cast %add3A_273 : i32 to index
        %get3A_319 = arith.constant 112 : index
        %get3A_320 = tpu.vector_load %arg7[%get3A_318, %get3A_319] {strides = array<i32>} : memref<328x128xf32, #tpu.memory_space<vmem>>, vector<16xf32>,
        %gt3A_321 = arith.cmpf ogt, %get3A_320, %select_n3A_268 : vector<16xf32>
        %select_n3A_322 = arith.select %gt3A_321, %get3A_320, %select_n3A_268 : vector<16xi1>, vector<16xf32>
        %select_n3A_323 = arith.select %gt3A_321, %broadcast_in_dim3A_275, %select_n3A_269 : vector<16xi1>, vector<16xi32>
        scf.yield %select_n3A_280, %select_n3A_286, %select_n3A_292, %select_n3A_298, %select_n3A_304, %select_n3A_310, %select_n3A_316, %select_n3A_322, %select_n3A_281, %select_n3A_287, %select_n3A_293, %select_n3A_299, %select_n3A_305, %select_n3A_311, %select_n3A_317, %select_n3A_323 : vector<16xf32>, vector<16xf32>, vector<16xf32>, vector<16xf32>, vector<16xf32>, vector<16xf32>, vector<16xf32>, vector<16xf32>, vector<16xi32>, vector<16xi32>, vector<16xi32>, vector<16xi32>, vector<16xi32>, vector<16xi32>, vector<16xi32>, vector<16xi32>
      }
      %scan3A_194 = arith.constant 164 : i32
      %add3A_195 = arith.constant 3 : i32
      %add3A_196 = arith.addi %add3A_178, %add3A_195 : i32
      %lt3A_197 = arith.constant 10 : i32
      %lt3A_198 = arith.cmpi slt, %add3A_196, %lt3A_197 : i32
      %convert_element_type3A_199 = arith.extui %lt3A_198 : i1 to i32
      %cond3A_200 = arith.constant 0 : i32
      %cond3A_201 = arith.cmpi ne, %convert_element_type3A_199, %cond3A_200 : i32
      scf.if %cond3A_201 {
        %add3A_202 = arith.constant 3 : i32
        %add3A_203 = arith.addi %add3A_178, %add3A_202 : i32
        %mul3A_204 = arith.constant 328 : i32
        %mul3A_205 = arith.muli %add3A_203, %mul3A_204 : i32
        %add3A_206 = arith.addi %mul3A_2, %mul3A_205 : i32
        %multiple_of3A_207 = tpu.assume_multiple %add3A_206, 8 : i32
        %dma_start3A_208 = arith.constant 0 : i32
        %dma_start3A_209 = tpu.memref_slice %arg2[%multiple_of3A_207, %dma_start3A_208] : memref<100000x128xf32, #tpu.memory_space<hbm>> -> memref<328x128xf32, #tpu.memory_space<hbm>>
        %dma_start3A_210 = arith.constant 0 : i32
        %dma_start3A_211 = tpu.memref_slice %arg2[%multiple_of3A_207, %dma_start3A_210] : memref<100000x128xf32, #tpu.memory_space<hbm>> -> memref<328x128xf32, #tpu.memory_space<hbm>>
        tpu.enqueue_dma source(%dma_start3A_211 : memref<328x128xf32, #tpu.memory_space<hbm>>) target(%arg7 : memref<328x128xf32, #tpu.memory_space<vmem>>) target_semaphore(%arg12 : memref<!tpu.dma_semaphore, #tpu.memory_space<semaphore_mem>>)
      } else {
      }
      scf.yield %scan3A_193#0, %scan3A_193#1, %scan3A_193#2, %scan3A_193#3, %scan3A_193#4, %scan3A_193#5, %scan3A_193#6, %scan3A_193#7, %scan3A_193#8, %scan3A_193#9, %scan3A_193#10, %scan3A_193#11, %scan3A_193#12, %scan3A_193#13, %scan3A_193#14, %scan3A_193#15 : vector<16xf32>, vector<16xf32>, vector<16xf32>, vector<16xf32>, vector<16xf32>, vector<16xf32>, vector<16xf32>, vector<16xf32>, vector<16xi32>, vector<16xi32>, vector<16xi32>, vector<16xi32>, vector<16xi32>, vector<16xi32>, vector<16xi32>, vector<16xi32>
    }
    %scan3A_29 = arith.constant 3 : i32
    %add3A_30 = arith.constant 0 : i32
    %add3A_31 = arith.addi %mul3A_2, %add3A_30 : i32
    %multiple_of3A_32 = tpu.assume_multiple %add3A_31, 8 : i32
    %dma_wait3A = arith.constant 0 : i32
    %dma_wait3A_33 = tpu.memref_slice %arg2[%multiple_of3A_32, %dma_wait3A] : memref<100000x128xf32, #tpu.memory_space<hbm>> -> memref<328x128xf32, #tpu.memory_space<hbm>>
    %dma_wait3A_34 = arith.constant 0 : i32
    %dma_wait3A_35 = tpu.memref_slice %arg2[%multiple_of3A_32, %dma_wait3A_34] : memref<100000x128xf32, #tpu.memory_space<hbm>> -> memref<328x128xf32, #tpu.memory_space<hbm>>
    tpu.wait_dma2 semaphore(%arg10 : memref<!tpu.dma_semaphore, #tpu.memory_space<semaphore_mem>>) src(%dma_wait3A_35 : memref<328x128xf32, #tpu.memory_space<hbm>>) dst(%arg5 : memref<328x128xf32, #tpu.memory_space<vmem>>)
    %add3A_36 = arith.constant 2952 : i32
    %add3A_37 = arith.addi %mul3A_2, %add3A_36 : i32
    %scan3A_38 = arith.constant 0 : i32
    %scan3A_39 = arith.constant 164 : i32
    %scan3A_40 = arith.addi %scan3A_38, %scan3A_39 : i32
    %scan3A_41 = arith.constant 1 : i32
    %scan3A_42:16 = scf.for %scan3A_107 = %scan3A_38 to %scan3A_40 step %scan3A_41 iter_args(%scan3A_108 = %scan3A_28#0, %scan3A_109 = %scan3A_28#1, %scan3A_110 = %scan3A_28#2, %scan3A_111 = %scan3A_28#3, %scan3A_112 = %scan3A_28#4, %scan3A_113 = %scan3A_28#5, %scan3A_114 = %scan3A_28#6, %scan3A_115 = %scan3A_28#7, %scan3A_116 = %scan3A_28#8, %scan3A_117 = %scan3A_28#9, %scan3A_118 = %scan3A_28#10, %scan3A_119 = %scan3A_28#11, %scan3A_120 = %scan3A_28#12, %scan3A_121 = %scan3A_28#13, %scan3A_122 = %scan3A_28#14, %scan3A_123 = %scan3A_28#15) -> (vector<16xf32>, vector<16xf32>, vector<16xf32>, vector<16xf32>, vector<16xf32>, vector<16xf32>, vector<16xf32>, vector<16xf32>, vector<16xi32>, vector<16xi32>, vector<16xi32>, vector<16xi32>, vector<16xi32>, vector<16xi32>, vector<16xi32>, vector<16xi32>)  : i32 {
      %mul3A_124 = arith.constant 2 : i32
      %mul3A_125 = arith.muli %scan3A_107, %mul3A_124 : i32
      %add3A_126 = arith.constant 0 : i32
      %add3A_127 = arith.addi %mul3A_125, %add3A_126 : i32
      %add3A_128 = arith.addi %add3A_37, %add3A_127 : i32
      %broadcast_in_dim3A_129 = vector.broadcast %add3A_128 : i32 to vector<16xi32>
      %get3A = arith.index_cast %add3A_127 : i32 to index
      %get3A_130 = arith.constant 0 : index
      %get3A_131 = tpu.vector_load %arg5[%get3A, %get3A_130] {strides = array<i32>} : memref<328x128xf32, #tpu.memory_space<vmem>>, vector<16xf32>,
      %gt3A = arith.cmpf ogt, %get3A_131, %scan3A_108 : vector<16xf32>
      %select_n3A = arith.select %gt3A, %get3A_131, %scan3A_108 : vector<16xi1>, vector<16xf32>
      %select_n3A_132 = arith.select %gt3A, %broadcast_in_dim3A_129, %scan3A_116 : vector<16xi1>, vector<16xi32>
      %get3A_133 = arith.index_cast %add3A_127 : i32 to index
      %get3A_134 = arith.constant 16 : index
      %get3A_135 = tpu.vector_load %arg5[%get3A_133, %get3A_134] {strides = array<i32>} : memref<328x128xf32, #tpu.memory_space<vmem>>, vector<16xf32>,
      %gt3A_136 = arith.cmpf ogt, %get3A_135, %scan3A_109 : vector<16xf32>
      %select_n3A_137 = arith.select %gt3A_136, %get3A_135, %scan3A_109 : vector<16xi1>, vector<16xf32>
      %select_n3A_138 = arith.select %gt3A_136, %broadcast_in_dim3A_129, %scan3A_117 : vector<16xi1>, vector<16xi32>
      %get3A_139 = arith.index_cast %add3A_127 : i32 to index
      %get3A_140 = arith.constant 32 : index
      %get3A_141 = tpu.vector_load %arg5[%get3A_139, %get3A_140] {strides = array<i32>} : memref<328x128xf32, #tpu.memory_space<vmem>>, vector<16xf32>,
      %gt3A_142 = arith.cmpf ogt, %get3A_141, %scan3A_110 : vector<16xf32>
      %select_n3A_143 = arith.select %gt3A_142, %get3A_141, %scan3A_110 : vector<16xi1>, vector<16xf32>
      %select_n3A_144 = arith.select %gt3A_142, %broadcast_in_dim3A_129, %scan3A_118 : vector<16xi1>, vector<16xi32>
      %get3A_145 = arith.index_cast %add3A_127 : i32 to index
      %get3A_146 = arith.constant 48 : index
      %get3A_147 = tpu.vector_load %arg5[%get3A_145, %get3A_146] {strides = array<i32>} : memref<328x128xf32, #tpu.memory_space<vmem>>, vector<16xf32>,
      %gt3A_148 = arith.cmpf ogt, %get3A_147, %scan3A_111 : vector<16xf32>
      %select_n3A_149 = arith.select %gt3A_148, %get3A_147, %scan3A_111 : vector<16xi1>, vector<16xf32>
      %select_n3A_150 = arith.select %gt3A_148, %broadcast_in_dim3A_129, %scan3A_119 : vector<16xi1>, vector<16xi32>
      %get3A_151 = arith.index_cast %add3A_127 : i32 to index
      %get3A_152 = arith.constant 64 : index
      %get3A_153 = tpu.vector_load %arg5[%get3A_151, %get3A_152] {strides = array<i32>} : memref<328x128xf32, #tpu.memory_space<vmem>>, vector<16xf32>,
      %gt3A_154 = arith.cmpf ogt, %get3A_153, %scan3A_112 : vector<16xf32>
      %select_n3A_155 = arith.select %gt3A_154, %get3A_153, %scan3A_112 : vector<16xi1>, vector<16xf32>
      %select_n3A_156 = arith.select %gt3A_154, %broadcast_in_dim3A_129, %scan3A_120 : vector<16xi1>, vector<16xi32>
      %get3A_157 = arith.index_cast %add3A_127 : i32 to index
      %get3A_158 = arith.constant 80 : index
      %get3A_159 = tpu.vector_load %arg5[%get3A_157, %get3A_158] {strides = array<i32>} : memref<328x128xf32, #tpu.memory_space<vmem>>, vector<16xf32>,
      %gt3A_160 = arith.cmpf ogt, %get3A_159, %scan3A_113 : vector<16xf32>
      %select_n3A_161 = arith.select %gt3A_160, %get3A_159, %scan3A_113 : vector<16xi1>, vector<16xf32>
      %select_n3A_162 = arith.select %gt3A_160, %broadcast_in_dim3A_129, %scan3A_121 : vector<16xi1>, vector<16xi32>
      %get3A_163 = arith.index_cast %add3A_127 : i32 to index
      %get3A_164 = arith.constant 96 : index
      %get3A_165 = tpu.vector_load %arg5[%get3A_163, %get3A_164] {strides = array<i32>} : memref<328x128xf32, #tpu.memory_space<vmem>>, vector<16xf32>,
      %gt3A_166 = arith.cmpf ogt, %get3A_165, %scan3A_114 : vector<16xf32>
      %select_n3A_167 = arith.select %gt3A_166, %get3A_165, %scan3A_114 : vector<16xi1>, vector<16xf32>
      %select_n3A_168 = arith.select %gt3A_166, %broadcast_in_dim3A_129, %scan3A_122 : vector<16xi1>, vector<16xi32>
      %get3A_169 = arith.index_cast %add3A_127 : i32 to index
      %get3A_170 = arith.constant 112 : index
      %get3A_171 = tpu.vector_load %arg5[%get3A_169, %get3A_170] {strides = array<i32>} : memref<328x128xf32, #tpu.memory_space<vmem>>, vector<16xf32>,
      %gt3A_172 = arith.cmpf ogt, %get3A_171, %scan3A_115 : vector<16xf32>
      %select_n3A_173 = arith.select %gt3A_172, %get3A_171, %scan3A_115 : vector<16xi1>, vector<16xf32>
      %select_n3A_174 = arith.select %gt3A_172, %broadcast_in_dim3A_129, %scan3A_123 : vector<16xi1>, vector<16xi32>
      %mul3A_175 = arith.constant 2 : i32
      %mul3A_176 = arith.muli %scan3A_107, %mul3A_175 : i32
      %add3A_177 = arith.constant 1 : i32
      %add3A_178 = arith.addi %mul3A_176, %add3A_177 : i32
      %add3A_179 = arith.addi %add3A_37, %add3A_178 : i32
      %broadcast_in_dim3A_180 = vector.broadcast %add3A_179 : i32 to vector<16xi32>
      %get3A_181 = arith.index_cast %add3A_178 : i32 to index
      %get3A_182 = arith.constant 0 : index
      %get3A_183 = tpu.vector_load %arg5[%get3A_181, %get3A_182] {strides = array<i32>} : memref<328x128xf32, #tpu.memory_space<vmem>>, vector<16xf32>,
      %gt3A_184 = arith.cmpf ogt, %get3A_183, %select_n3A : vector<16xf32>
      %select_n3A_185 = arith.select %gt3A_184, %get3A_183, %select_n3A : vector<16xi1>, vector<16xf32>
      %select_n3A_186 = arith.select %gt3A_184, %broadcast_in_dim3A_180, %select_n3A_132 : vector<16xi1>, vector<16xi32>
      %get3A_187 = arith.index_cast %add3A_178 : i32 to index
      %get3A_188 = arith.constant 16 : index
      %get3A_189 = tpu.vector_load %arg5[%get3A_187, %get3A_188] {strides = array<i32>} : memref<328x128xf32, #tpu.memory_space<vmem>>, vector<16xf32>,
      %gt3A_190 = arith.cmpf ogt, %get3A_189, %select_n3A_137 : vector<16xf32>
      %select_n3A_191 = arith.select %gt3A_190, %get3A_189, %select_n3A_137 : vector<16xi1>, vector<16xf32>
      %select_n3A_192 = arith.select %gt3A_190, %broadcast_in_dim3A_180, %select_n3A_138 : vector<16xi1>, vector<16xi32>
      %get3A_193 = arith.index_cast %add3A_178 : i32 to index
      %get3A_194 = arith.constant 32 : index
      %get3A_195 = tpu.vector_load %arg5[%get3A_193, %get3A_194] {strides = array<i32>} : memref<328x128xf32, #tpu.memory_space<vmem>>, vector<16xf32>,
      %gt3A_196 = arith.cmpf ogt, %get3A_195, %select_n3A_143 : vector<16xf32>
      %select_n3A_197 = arith.select %gt3A_196, %get3A_195, %select_n3A_143 : vector<16xi1>, vector<16xf32>
      %select_n3A_198 = arith.select %gt3A_196, %broadcast_in_dim3A_180, %select_n3A_144 : vector<16xi1>, vector<16xi32>
      %get3A_199 = arith.index_cast %add3A_178 : i32 to index
      %get3A_200 = arith.constant 48 : index
      %get3A_201 = tpu.vector_load %arg5[%get3A_199, %get3A_200] {strides = array<i32>} : memref<328x128xf32, #tpu.memory_space<vmem>>, vector<16xf32>,
      %gt3A_202 = arith.cmpf ogt, %get3A_201, %select_n3A_149 : vector<16xf32>
      %select_n3A_203 = arith.select %gt3A_202, %get3A_201, %select_n3A_149 : vector<16xi1>, vector<16xf32>
      %select_n3A_204 = arith.select %gt3A_202, %broadcast_in_dim3A_180, %select_n3A_150 : vector<16xi1>, vector<16xi32>
      %get3A_205 = arith.index_cast %add3A_178 : i32 to index
      %get3A_206 = arith.constant 64 : index
      %get3A_207 = tpu.vector_load %arg5[%get3A_205, %get3A_206] {strides = array<i32>} : memref<328x128xf32, #tpu.memory_space<vmem>>, vector<16xf32>,
      %gt3A_208 = arith.cmpf ogt, %get3A_207, %select_n3A_155 : vector<16xf32>
      %select_n3A_209 = arith.select %gt3A_208, %get3A_207, %select_n3A_155 : vector<16xi1>, vector<16xf32>
      %select_n3A_210 = arith.select %gt3A_208, %broadcast_in_dim3A_180, %select_n3A_156 : vector<16xi1>, vector<16xi32>
      %get3A_211 = arith.index_cast %add3A_178 : i32 to index
      %get3A_212 = arith.constant 80 : index
      %get3A_213 = tpu.vector_load %arg5[%get3A_211, %get3A_212] {strides = array<i32>} : memref<328x128xf32, #tpu.memory_space<vmem>>, vector<16xf32>,
      %gt3A_214 = arith.cmpf ogt, %get3A_213, %select_n3A_161 : vector<16xf32>
      %select_n3A_215 = arith.select %gt3A_214, %get3A_213, %select_n3A_161 : vector<16xi1>, vector<16xf32>
      %select_n3A_216 = arith.select %gt3A_214, %broadcast_in_dim3A_180, %select_n3A_162 : vector<16xi1>, vector<16xi32>
      %get3A_217 = arith.index_cast %add3A_178 : i32 to index
      %get3A_218 = arith.constant 96 : index
      %get3A_219 = tpu.vector_load %arg5[%get3A_217, %get3A_218] {strides = array<i32>} : memref<328x128xf32, #tpu.memory_space<vmem>>, vector<16xf32>,
      %gt3A_220 = arith.cmpf ogt, %get3A_219, %select_n3A_167 : vector<16xf32>
      %select_n3A_221 = arith.select %gt3A_220, %get3A_219, %select_n3A_167 : vector<16xi1>, vector<16xf32>
      %select_n3A_222 = arith.select %gt3A_220, %broadcast_in_dim3A_180, %select_n3A_168 : vector<16xi1>, vector<16xi32>
      %get3A_223 = arith.index_cast %add3A_178 : i32 to index
      %get3A_224 = arith.constant 112 : index
      %get3A_225 = tpu.vector_load %arg5[%get3A_223, %get3A_224] {strides = array<i32>} : memref<328x128xf32, #tpu.memory_space<vmem>>, vector<16xf32>,
      %gt3A_226 = arith.cmpf ogt, %get3A_225, %select_n3A_173 : vector<16xf32>
      %select_n3A_227 = arith.select %gt3A_226, %get3A_225, %select_n3A_173 : vector<16xi1>, vector<16xf32>
      %select_n3A_228 = arith.select %gt3A_226, %broadcast_in_dim3A_180, %select_n3A_174 : vector<16xi1>, vector<16xi32>
      scf.yield %select_n3A_185, %select_n3A_191, %select_n3A_197, %select_n3A_203, %select_n3A_209, %select_n3A_215, %select_n3A_221, %select_n3A_227, %select_n3A_186, %select_n3A_192, %select_n3A_198, %select_n3A_204, %select_n3A_210, %select_n3A_216, %select_n3A_222, %select_n3A_228 : vector<16xf32>, vector<16xf32>, vector<16xf32>, vector<16xf32>, vector<16xf32>, vector<16xf32>, vector<16xf32>, vector<16xf32>, vector<16xi32>, vector<16xi32>, vector<16xi32>, vector<16xi32>, vector<16xi32>, vector<16xi32>, vector<16xi32>, vector<16xi32>
    }
    %scan3A_43 = arith.constant 164 : i32
    %swap3A = arith.constant 0 : i32
    %swap3A_44 = arith.index_cast %swap3A : i32 to index
    %swap3A_45 = arith.constant 0 : index
    %swap3A_46 = tpu.vector_load %arg8[%swap3A_44, %swap3A_45] {strides = array<i32>} : memref<8x16xf32, #tpu.memory_space<vmem>>, vector<16xf32>,
    tpu.vector_store %arg8[%swap3A_44, %swap3A_45], %scan3A_42#0 {strides = array<i32>} : memref<8x16xf32, #tpu.memory_space<vmem>>, vector<16xf32>,
    %swap3A_47 = arith.constant 0 : i32
    %swap3A_48 = arith.index_cast %swap3A_47 : i32 to index
    %swap3A_49 = arith.constant 0 : index
    %swap3A_50 = tpu.vector_load %arg9[%swap3A_48, %swap3A_49] {strides = array<i32>} : memref<8x16xi32, #tpu.memory_space<vmem>>, vector<16xi32>,
    tpu.vector_store %arg9[%swap3A_48, %swap3A_49], %scan3A_42#8 {strides = array<i32>} : memref<8x16xi32, #tpu.memory_space<vmem>>, vector<16xi32>,
    %swap3A_51 = arith.constant 1 : i32
    %swap3A_52 = arith.index_cast %swap3A_51 : i32 to index
    %swap3A_53 = arith.constant 0 : index
    %swap3A_54 = tpu.vector_load %arg8[%swap3A_52, %swap3A_53] {strides = array<i32>} : memref<8x16xf32, #tpu.memory_space<vmem>>, vector<16xf32>,
    tpu.vector_store %arg8[%swap3A_52, %swap3A_53], %scan3A_42#1 {strides = array<i32>} : memref<8x16xf32, #tpu.memory_space<vmem>>, vector<16xf32>,
    %swap3A_55 = arith.constant 1 : i32
    %swap3A_56 = arith.index_cast %swap3A_55 : i32 to index
    %swap3A_57 = arith.constant 0 : index
    %swap3A_58 = tpu.vector_load %arg9[%swap3A_56, %swap3A_57] {strides = array<i32>} : memref<8x16xi32, #tpu.memory_space<vmem>>, vector<16xi32>,
    tpu.vector_store %arg9[%swap3A_56, %swap3A_57], %scan3A_42#9 {strides = array<i32>} : memref<8x16xi32, #tpu.memory_space<vmem>>, vector<16xi32>,
    %swap3A_59 = arith.constant 2 : i32
    %swap3A_60 = arith.index_cast %swap3A_59 : i32 to index
    %swap3A_61 = arith.constant 0 : index
    %swap3A_62 = tpu.vector_load %arg8[%swap3A_60, %swap3A_61] {strides = array<i32>} : memref<8x16xf32, #tpu.memory_space<vmem>>, vector<16xf32>,
    tpu.vector_store %arg8[%swap3A_60, %swap3A_61], %scan3A_42#2 {strides = array<i32>} : memref<8x16xf32, #tpu.memory_space<vmem>>, vector<16xf32>,
    %swap3A_63 = arith.constant 2 : i32
    %swap3A_64 = arith.index_cast %swap3A_63 : i32 to index
    %swap3A_65 = arith.constant 0 : index
    %swap3A_66 = tpu.vector_load %arg9[%swap3A_64, %swap3A_65] {strides = array<i32>} : memref<8x16xi32, #tpu.memory_space<vmem>>, vector<16xi32>,
    tpu.vector_store %arg9[%swap3A_64, %swap3A_65], %scan3A_42#10 {strides = array<i32>} : memref<8x16xi32, #tpu.memory_space<vmem>>, vector<16xi32>,
    %swap3A_67 = arith.constant 3 : i32
    %swap3A_68 = arith.index_cast %swap3A_67 : i32 to index
    %swap3A_69 = arith.constant 0 : index
    %swap3A_70 = tpu.vector_load %arg8[%swap3A_68, %swap3A_69] {strides = array<i32>} : memref<8x16xf32, #tpu.memory_space<vmem>>, vector<16xf32>,
    tpu.vector_store %arg8[%swap3A_68, %swap3A_69], %scan3A_42#3 {strides = array<i32>} : memref<8x16xf32, #tpu.memory_space<vmem>>, vector<16xf32>,
    %swap3A_71 = arith.constant 3 : i32
    %swap3A_72 = arith.index_cast %swap3A_71 : i32 to index
    %swap3A_73 = arith.constant 0 : index
    %swap3A_74 = tpu.vector_load %arg9[%swap3A_72, %swap3A_73] {strides = array<i32>} : memref<8x16xi32, #tpu.memory_space<vmem>>, vector<16xi32>,
    tpu.vector_store %arg9[%swap3A_72, %swap3A_73], %scan3A_42#11 {strides = array<i32>} : memref<8x16xi32, #tpu.memory_space<vmem>>, vector<16xi32>,
    %swap3A_75 = arith.constant 4 : i32
    %swap3A_76 = arith.index_cast %swap3A_75 : i32 to index
    %swap3A_77 = arith.constant 0 : index
    %swap3A_78 = tpu.vector_load %arg8[%swap3A_76, %swap3A_77] {strides = array<i32>} : memref<8x16xf32, #tpu.memory_space<vmem>>, vector<16xf32>,
    tpu.vector_store %arg8[%swap3A_76, %swap3A_77], %scan3A_42#4 {strides = array<i32>} : memref<8x16xf32, #tpu.memory_space<vmem>>, vector<16xf32>,
    %swap3A_79 = arith.constant 4 : i32
    %swap3A_80 = arith.index_cast %swap3A_79 : i32 to index
    %swap3A_81 = arith.constant 0 : index
    %swap3A_82 = tpu.vector_load %arg9[%swap3A_80, %swap3A_81] {strides = array<i32>} : memref<8x16xi32, #tpu.memory_space<vmem>>, vector<16xi32>,
    tpu.vector_store %arg9[%swap3A_80, %swap3A_81], %scan3A_42#12 {strides = array<i32>} : memref<8x16xi32, #tpu.memory_space<vmem>>, vector<16xi32>,
    %swap3A_83 = arith.constant 5 : i32
    %swap3A_84 = arith.index_cast %swap3A_83 : i32 to index
    %swap3A_85 = arith.constant 0 : index
    %swap3A_86 = tpu.vector_load %arg8[%swap3A_84, %swap3A_85] {strides = array<i32>} : memref<8x16xf32, #tpu.memory_space<vmem>>, vector<16xf32>,
    tpu.vector_store %arg8[%swap3A_84, %swap3A_85], %scan3A_42#5 {strides = array<i32>} : memref<8x16xf32, #tpu.memory_space<vmem>>, vector<16xf32>,
    %swap3A_87 = arith.constant 5 : i32
    %swap3A_88 = arith.index_cast %swap3A_87 : i32 to index
    %swap3A_89 = arith.constant 0 : index
    %swap3A_90 = tpu.vector_load %arg9[%swap3A_88, %swap3A_89] {strides = array<i32>} : memref<8x16xi32, #tpu.memory_space<vmem>>, vector<16xi32>,
    tpu.vector_store %arg9[%swap3A_88, %swap3A_89], %scan3A_42#13 {strides = array<i32>} : memref<8x16xi32, #tpu.memory_space<vmem>>, vector<16xi32>,
    %swap3A_91 = arith.constant 6 : i32
    %swap3A_92 = arith.index_cast %swap3A_91 : i32 to index
    %swap3A_93 = arith.constant 0 : index
    %swap3A_94 = tpu.vector_load %arg8[%swap3A_92, %swap3A_93] {strides = array<i32>} : memref<8x16xf32, #tpu.memory_space<vmem>>, vector<16xf32>,
    tpu.vector_store %arg8[%swap3A_92, %swap3A_93], %scan3A_42#6 {strides = array<i32>} : memref<8x16xf32, #tpu.memory_space<vmem>>, vector<16xf32>,
    %swap3A_95 = arith.constant 6 : i32
    %swap3A_96 = arith.index_cast %swap3A_95 : i32 to index
    %swap3A_97 = arith.constant 0 : index
    %swap3A_98 = tpu.vector_load %arg9[%swap3A_96, %swap3A_97] {strides = array<i32>} : memref<8x16xi32, #tpu.memory_space<vmem>>, vector<16xi32>,
    tpu.vector_store %arg9[%swap3A_96, %swap3A_97], %scan3A_42#14 {strides = array<i32>} : memref<8x16xi32, #tpu.memory_space<vmem>>, vector<16xi32>,
    %swap3A_99 = arith.constant 7 : i32
    %swap3A_100 = arith.index_cast %swap3A_99 : i32 to index
    %swap3A_101 = arith.constant 0 : index
    %swap3A_102 = tpu.vector_load %arg8[%swap3A_100, %swap3A_101] {strides = array<i32>} : memref<8x16xf32, #tpu.memory_space<vmem>>, vector<16xf32>,
    tpu.vector_store %arg8[%swap3A_100, %swap3A_101], %scan3A_42#7 {strides = array<i32>} : memref<8x16xf32, #tpu.memory_space<vmem>>, vector<16xf32>,
    %swap3A_103 = arith.constant 7 : i32
    %swap3A_104 = arith.index_cast %swap3A_103 : i32 to index
    %swap3A_105 = arith.constant 0 : index
    %swap3A_106 = tpu.vector_load %arg9[%swap3A_104, %swap3A_105] {strides = array<i32>} : memref<8x16xi32, #tpu.memory_space<vmem>>, vector<16xi32>,
    tpu.vector_store %arg9[%swap3A_104, %swap3A_105], %scan3A_42#15 {strides = array<i32>} : memref<8x16xi32, #tpu.memory_space<vmem>>, vector<16xi32>,
    "tpu.region"() ({
      %run_scoped3A = tpu.sem_alloc : memref<!tpu.dma_semaphore, #tpu.memory_space<semaphore_mem>>
      %dma_start3A_107 = arith.constant 0 : i32
      %dma_start3A_108 = arith.constant 0 : i32
      %dma_start3A_109 = tpu.memref_slice %arg3[%add3A, %dma_start3A_107, %dma_start3A_108] : memref<32x8x16xf32, #tpu.memory_space<hbm>> -> memref<1x8x16xf32, #tpu.memory_space<hbm>>
      %dma_start3A_110 = tpu.memref_squeeze %dma_start3A_109 : memref<1x8x16xf32, #tpu.memory_space<hbm>> -> memref<8x16xf32, #tpu.memory_space<hbm>>
      %dma_start3A_111 = arith.constant 0 : i32
      %dma_start3A_112 = arith.constant 0 : i32
      %dma_start3A_113 = tpu.memref_slice %arg3[%add3A, %dma_start3A_111, %dma_start3A_112] : memref<32x8x16xf32, #tpu.memory_space<hbm>> -> memref<1x8x16xf32, #tpu.memory_space<hbm>>
      %dma_start3A_114 = tpu.memref_squeeze %dma_start3A_113 : memref<1x8x16xf32, #tpu.memory_space<hbm>> -> memref<8x16xf32, #tpu.memory_space<hbm>>
      tpu.enqueue_dma source(%arg8 : memref<8x16xf32, #tpu.memory_space<vmem>>) target(%dma_start3A_114 : memref<8x16xf32, #tpu.memory_space<hbm>>) target_semaphore(%run_scoped3A : memref<!tpu.dma_semaphore, #tpu.memory_space<semaphore_mem>>)
      %dma_wait3A_115 = arith.constant 0 : i32
      %dma_wait3A_116 = arith.constant 0 : i32
      %dma_wait3A_117 = tpu.memref_slice %arg3[%add3A, %dma_wait3A_115, %dma_wait3A_116] : memref<32x8x16xf32, #tpu.memory_space<hbm>> -> memref<1x8x16xf32, #tpu.memory_space<hbm>>
      %dma_wait3A_118 = tpu.memref_squeeze %dma_wait3A_117 : memref<1x8x16xf32, #tpu.memory_space<hbm>> -> memref<8x16xf32, #tpu.memory_space<hbm>>
      %dma_wait3A_119 = arith.constant 0 : i32
      %dma_wait3A_120 = arith.constant 0 : i32
      %dma_wait3A_121 = tpu.memref_slice %arg3[%add3A, %dma_wait3A_119, %dma_wait3A_120] : memref<32x8x16xf32, #tpu.memory_space<hbm>> -> memref<1x8x16xf32, #tpu.memory_space<hbm>>
      %dma_wait3A_122 = tpu.memref_squeeze %dma_wait3A_121 : memref<1x8x16xf32, #tpu.memory_space<hbm>> -> memref<8x16xf32, #tpu.memory_space<hbm>>
      tpu.wait_dma2 semaphore(%run_scoped3A : memref<!tpu.dma_semaphore, #tpu.memory_space<semaphore_mem>>) src(%arg8 : memref<8x16xf32, #tpu.memory_space<vmem>>) dst(%dma_wait3A_122 : memref<8x16xf32, #tpu.memory_space<hbm>>)
      tpu.yield
    }) : () -> ()
    "tpu.region"() ({
      %run_scoped3A = tpu.sem_alloc : memref<!tpu.dma_semaphore, #tpu.memory_space<semaphore_mem>>
      %dma_start3A_107 = arith.constant 0 : i32
      %dma_start3A_108 = arith.constant 0 : i32
      %dma_start3A_109 = tpu.memref_slice %arg4[%add3A, %dma_start3A_107, %dma_start3A_108] : memref<32x8x16xi32, #tpu.memory_space<hbm>> -> memref<1x8x16xi32, #tpu.memory_space<hbm>>
      %dma_start3A_110 = tpu.memref_squeeze %dma_start3A_109 : memref<1x8x16xi32, #tpu.memory_space<hbm>> -> memref<8x16xi32, #tpu.memory_space<hbm>>
      %dma_start3A_111 = arith.constant 0 : i32
      %dma_start3A_112 = arith.constant 0 : i32
      %dma_start3A_113 = tpu.memref_slice %arg4[%add3A, %dma_start3A_111, %dma_start3A_112] : memref<32x8x16xi32, #tpu.memory_space<hbm>> -> memref<1x8x16xi32, #tpu.memory_space<hbm>>
      %dma_start3A_114 = tpu.memref_squeeze %dma_start3A_113 : memref<1x8x16xi32, #tpu.memory_space<hbm>> -> memref<8x16xi32, #tpu.memory_space<hbm>>
      tpu.enqueue_dma source(%arg9 : memref<8x16xi32, #tpu.memory_space<vmem>>) target(%dma_start3A_114 : memref<8x16xi32, #tpu.memory_space<hbm>>) target_semaphore(%run_scoped3A : memref<!tpu.dma_semaphore, #tpu.memory_space<semaphore_mem>>)
      %dma_wait3A_115 = arith.constant 0 : i32
      %dma_wait3A_116 = arith.constant 0 : i32
      %dma_wait3A_117 = tpu.memref_slice %arg4[%add3A, %dma_wait3A_115, %dma_wait3A_116] : memref<32x8x16xi32, #tpu.memory_space<hbm>> -> memref<1x8x16xi32, #tpu.memory_space<hbm>>
      %dma_wait3A_118 = tpu.memref_squeeze %dma_wait3A_117 : memref<1x8x16xi32, #tpu.memory_space<hbm>> -> memref<8x16xi32, #tpu.memory_space<hbm>>
      %dma_wait3A_119 = arith.constant 0 : i32
      %dma_wait3A_120 = arith.constant 0 : i32
      %dma_wait3A_121 = tpu.memref_slice %arg4[%add3A, %dma_wait3A_119, %dma_wait3A_120] : memref<32x8x16xi32, #tpu.memory_space<hbm>> -> memref<1x8x16xi32, #tpu.memory_space<hbm>>
      %dma_wait3A_122 = tpu.memref_squeeze %dma_wait3A_121 : memref<1x8x16xi32, #tpu.memory_space<hbm>> -> memref<8x16xi32, #tpu.memory_space<hbm>>
      tpu.wait_dma2 semaphore(%run_scoped3A : memref<!tpu.dma_semaphore, #tpu.memory_space<semaphore_mem>>) src(%arg9 : memref<8x16xi32, #tpu.memory_space<vmem>>) dst(%dma_wait3A_122 : memref<8x16xi32, #tpu.memory_space<hbm>>)
      tpu.yield
    }) : () -> ()
    return
  }
}

</mosaic_0001>

<sc_bundles>
// kernel: kernel.3.cloned.1.call-start
scs
__scs_entry_jumppad:
0x0: {  	(pc) =	sbr.rel $0x88, $3  }
0x1: {  	(tag) =	ssettag $0x0;
	lr =	simm.s32 $0x1  }
0x2: {  	[smem:$0x3FA0] =	sst lr;
	_ =	strace $0xD0000000  }
0x3: {  	_ = 	snop  }
0x4: {  	_ = 	snop  }
0x5: {  	_ = 	snop  }
0x6: {  	_ = 	snop  }
0x7: {  	_ = 	snop  }
__scs_overlays_trampoline_lowered:
0x8: {  	[smem:$0x3FAF] =	sst s0  }
0x9: {  	[smem:$0x3FB0] =	sst s1  }
0xa: {  	[smem:$0x3FB1] =	sst s2  }
0xb: {  	[smem:$0x3FB2] =	sst s3  }
0xc: {  	[smem:$0x3FB3] =	sst s4  }
0xd: {  	[smem:$0x3FB4] =	sst s5  }
0xe: {  	[smem:$0x3FB5] =	sst s6  }
0xf: {  	[smem:$0x3FB6] =	sst s7  }
0x10: {  	[smem:$0x3FB7] =	sst s8  }
0x11: {  	[smem:$0x3FB8] =	sst s9;
	s0 =	simm.s32 @!p0 $0x0  }
0x12: {  	s1 =	sld [smem:$0x3F9E];
	s0 =	simm.s32 @p0 $0x1  }
0x13: {  	[smem:$0x3FB9] =	sst s0;
	s0 =	simm.s32 @!p1 $0x0  }
0x14: {  	s2 =	sld [smem:$0x3F9D];
	s0 =	simm.s32 @p1 $0x1  }
0x15: {  	[smem:$0x3FBA] =	sst s0;
	s0 =	simm.s32 @!p2 $0x0  }
0x16: {  	s3 =	sld [smem:$0x3FDB];
	s0 =	simm.s32 @p2 $0x1  }
0x17: {  	s4 =	simm.s32 $0x1BF5;
	[smem:$0x3FBC] =	sst s0  }
0x18: {  	s0 =	sld [smem:$0x3F9F];
	_ =	swait.ge [sflag:s4], $0x0  }
0x19: {  	s7 =	sld [smem:$0x3FA0]  }
0x1a: {  	s8 =	sadd.s32 $0xFFFFE003, lr  }
0x1b: {  	s9 =	sadd.s32 $0xFFFFFEF7, lr;
	s5 =	simm.s32 $0xFFFFFFFF;
	p2 =	slt.u32 s8, $0xFFFFF086  }
0x1c: {  	p1 =	slt.u32 s9, $0xF7A;
	s5 =	simm.s32 @!p2 $0x0  }
0x1d: {  	s5 =	simm.s32 @p1 $0x1;
	p0 =	seq.s32 s7, s2  }
0x1e: {  	s7 =	smul.u32 @!p0 $0xF7A, s2;
	p2 =	seq.s32 @!p0 s5, $0x0  }
0x1f: {  	s9 =	smul.u32 $0xF7A, s1;
	s8 =	simm.s32 @!p0 $0x1BF5;
	p2 =	por !p2, p0  }
0x20: {  	[sflag:s8] =	ssyncset.s32 @!p0 $0xFFFFF086;
	s6 =	sadd.s32 @!p0 s3, s7;
	s7 =	simm.s32 @!p0 $0x108  }
0x21: {  	s3 =	sadd.s32 s3, s9;
	s6 =	sadd.s32 @!p0 $0x88, s6;
	s7 =	simm.s32 @p2 $0x1082  }
0x22: {  	[simem:s7], [sflag:s8] =	dma.local @!p0 [hbm:s6], $0xF7A  }
0x23: {  	s9 =	sor.u32 $0xD0000000, s2;
	s6 =	simm.s32 $0x108;
	_ =	swait.ge @!p0 [sflag:s8], $0x0  }
0x24: {  	s3 =	sadd.s32 $0x88, s3;
	s6 =	simm.s32 @!p1 $0x1082;
	[sflag:s4] =	ssyncset.s32 $0xFFFFF086  }
0x25: {  	[simem:s6], [sflag:s4] =	dma.local [hbm:s3], $0xF7A  }
0x26: {  	[smem:$0x3FA0] =	sst s1;
	(tag) =	ssettag s2;
	_ =	strace s9  }
0x27: {  	s1 =	sld [smem:$0x3FB0]  }
0x28: {  	s2 =	sld [smem:$0x3FB1]  }
0x29: {  	s4 =	sld [smem:$0x3FB3]  }
0x2a: {  	p0 =	seq.s32 s5, $0x0;
	s5 =	sld [smem:$0x3FB4]  }
0x2b: {  	s6 =	sld [smem:$0x3FB5]  }
0x2c: {  	s7 =	sld [smem:$0x3FB6]  }
0x2d: {  	s3 =	simm.s32 $0x108;
	s8 =	sld [smem:$0x3FB7]  }
0x2e: {  	s3 =	simm.s32 @!p0 $0x1082;
	s9 =	sld [smem:$0x3FB8]  }
0x2f: {  	lr =	sadd.s32 s0, s3;
	s0 =	sld [smem:$0x3FAF]  }
0x30: {  	s3 =	sld [smem:$0x3FB2]  }
0x31: {  	[smem:$0x3FBB] =	sst s10  }
0x32: {  	s10 =	sld [smem:$0x3FB9];
	_ =	sdelay $0x3  }
0x33: {  	p0 =	seq.s32 s10, $0x1;
	s10 =	sld [smem:$0x3FBB];
	_ =	sdelay $0x3  }
0x34: {  	[smem:$0x3FBB] =	sst s10  }
0x35: {  	s10 =	sld [smem:$0x3FBA];
	_ =	sdelay $0x3  }
0x36: {  	p1 =	seq.s32 s10, $0x1;
	s10 =	sld [smem:$0x3FBB];
	_ =	sdelay $0x3  }
0x37: {  	[smem:$0x3FBB] =	sst s10  }
0x38: {  	s10 =	sld [smem:$0x3FBC]  }
0x39: {  	_ = 	snop;
	(pc) =	sbr.ind lr, $3  }
0x3a: {  	_ = 	snop  }
0x3b: {  	_ = 	snop  }
0x3c: {  	p2 =	seq.s32 s10, $0x1;
	s10 =	sld [smem:$0x3FBB]  }
0x3d: {  	_ =	shalt  }
0x3e: {  	_ =	shalt  }
0x3f: {  	_ =	shalt  }
0x40: {  	_ =	shalt  }
0x41: {  	_ =	shalt  }
0x42: {  	_ =	shalt  }
0x43: {  	_ =	shalt  }
0x44: {  	_ =	shalt  }
0x45: {  	_ =	shalt  }
0x46: {  	_ =	shalt  }
0x47: {  	_ =	shalt  }
0x48: {  	_ =	shalt  }
0x49: {  	_ =	shalt  }
0x4a: {  	_ =	shalt  }
0x4b: {  	_ =	shalt  }
0x4c: {  	_ =	shalt  }
0x4d: {  	_ =	shalt  }
0x4e: {  	_ =	shalt  }
0x4f: {  	_ =	shalt  }
0x50: {  	_ =	shalt  }
0x51: {  	_ =	shalt  }
0x52: {  	_ =	shalt  }
0x53: {  	_ =	shalt  }
0x54: {  	_ =	shalt  }
0x55: {  	_ =	shalt  }
0x56: {  	_ =	shalt  }
0x57: {  	_ =	shalt  }
0x58: {  	_ =	shalt  }
0x59: {  	_ =	shalt  }
0x5a: {  	_ =	shalt  }
0x5b: {  	_ =	shalt  }
0x5c: {  	_ =	shalt  }
0x5d: {  	_ =	shalt  }
0x5e: {  	_ =	shalt  }
0x5f: {  	_ =	shalt  }
0x60: {  	_ =	shalt  }
0x61: {  	_ =	shalt  }
0x62: {  	_ =	shalt  }
0x63: {  	_ =	shalt  }
0x64: {  	_ =	shalt  }
0x65: {  	_ =	shalt  }
0x66: {  	_ =	shalt  }
0x67: {  	_ =	shalt  }
0x68: {  	_ =	shalt  }
0x69: {  	_ =	shalt  }
0x6a: {  	_ =	shalt  }
0x6b: {  	_ =	shalt  }
0x6c: {  	_ =	shalt  }
0x6d: {  	_ =	shalt  }
0x6e: {  	_ =	shalt  }
0x6f: {  	_ =	shalt  }
0x70: {  	_ =	shalt  }
0x71: {  	_ =	shalt  }
0x72: {  	_ =	shalt  }
0x73: {  	_ =	shalt  }
0x74: {  	_ =	shalt  }
0x75: {  	_ =	shalt  }
0x76: {  	_ =	shalt  }
0x77: {  	_ =	shalt  }
0x78: {  	_ =	shalt  }
0x79: {  	_ =	shalt  }
0x7a: {  	_ =	shalt  }
0x7b: {  	_ =	shalt  }
0x7c: {  	_ =	shalt  }
0x7d: {  	_ =	shalt  }
0x7e: {  	_ =	shalt  }
0x7f: {  	_ =	shalt  }
0x80: {  	_ =	shalt  }
0x81: {  	_ =	shalt  }
0x82: {  	_ =	shalt  }
0x83: {  	_ =	shalt  }
0x84: {  	_ =	shalt  }
0x85: {  	_ =	shalt  }
0x86: {  	_ =	shalt  }
0x87: {  	_ =	shalt  }
.Lfunc_end0:
.L_simem_size_0:
called_computation_lowered:
.L_overlay_start_0:
0x88: {  	s2 =	sld [smem:$0x3FD9]  }
0x89: {  	s3 =	sld [smem:$0x3FFE];
	_ =	sdelay $0x1  }
0x8a: {  	s1 =	srdreg.scid  }
0x8b: {  	s0 =	sand.u32 $0x1, s1  }
0x8c: {  	s17 =	sshll.u32 s0, $0xA;
	s2 =	sadd.s32 s3, s2  }
0x8d: {  	s2 =	sadd.s32 s2, s17  }
0x8e: {  	[smem:$0x3FC7] =	sst s2  }
0x8f: {  	_ = 	snop  }
0x90: {  	s2 =	sld [smem:$0x3FC9];
	(tm) =	ssettm $0x1  }
0x91: {  	s18 =	sld [smem:$0x3FFB];
	_ =	sdelay $0x3  }
0x92: {  	_ =	strace s18  }
0x93: {  	s3 =	sld [smem:$0x3FFC];
	_ =	sdelay $0x3  }
0x94: {  	_ =	strace s3  }
0x95: {  	s3 =	sld [smem:$0x3FFD];
	_ =	sdelay $0x3  }
0x96: {  	_ =	strace s3  }
0x97: {  	_ =	strace $0x8FFFFFFF  }
0x98: {  	s19 =	sld [smem:$0x3FDB];
	_ =	sdelay $0x1  }
0x99: {  	s4 =	simm.s32 $_scs_section_size  }
0x9a: {  	s5 =	simm.s32 $_size__tile_overlayer_lowered;
	s6 =	simm.s32 $_tile_overlayer_lowered  }
0x9b: {  	s22 =	simm.s32 $0x1BFF;
	s21 =	sshll.u32 s6, $0x1;
	s3 =	sadd.s32 s4, s19  }
0x9c: {  	s7 =	simm.s32 $0x0;
	s20 =	sshll.u32 s5, $0x1;
	s5 =	sadd.s32 s21, s3  }
0x9d: {  	[timem:s7], [sflag:s22] =	dma.local [hbm:s5], s20  }
0x9e: {  	_ =	swait.ge [sflag:s22], s20  }
0x9f: {  	s4 =	ssub.s32 $0x0, s20;
	[sflag:s22] =	ssyncset.done $0x0  }
0xa0: {  	[sflag:s22] =	ssyncadd.s32 s4;
	_ =	sdelay $0x1  }
0xa1: {  	s23 =	simm.s32 $0x1B8B  }
0xa2: {  	_ =	swait.ge [sflag:s23], $0x1  }
0xa3: {  	[sflag:s23] =	ssyncset.done $0x0  }
0xa4: {  	s25 =	simm.s32 $0x1B8E;
	s24 =	sld [smem:$0x3FFE];
	[sflag:s23] =	ssyncadd.s32 $0xFFFFFFFF  }
0xa5: {  	s26 =	simm.s32 $execute0_lowered;
	[smem:$0x3FD2] =	sst s25  }
0xa6: {  	s5 =	sshll.u32 s26, $0x1;
	_ =	strace $0x80000046;
	[dreg:$0x1] =	wrdreg $0xFFFFFFFF  }
0xa7: {  	s28 =	simm.s32 $_size_execute0_lowered;
	s3 =	sadd.s32 s3, s5;
	[dreg:$0x0] =	wrdreg $0x0  }
0xa8: {  	s5 =	sshll.u32 s28, $0x1;
	[dreg:$0x2] =	wrdreg s3  }
0xa9: {  	[dreg:$0x3] =	wrdreg s5  }
0xaa: {  	[dreg:$0x4] =	wrdreg $0xC0  }
0xab: {  	_ =	task [dreg:s7], $0x5FFFF  }
0xac: {  	[dreg:$0x1] =	wrdreg $0xFFFFFFFF  }
0xad: {  	[dreg:$0x0] =	wrdreg $0x60  }
0xae: {  	[dreg:$0x2] =	wrdreg s2  }
0xaf: {  	[dreg:$0x3] =	wrdreg s24  }
0xb0: {  	[dreg:$0x4] =	wrdreg $0x9  }
0xb1: {  	_ =	task.clear_ibuf [dreg:s7], $0x5FFFF;
	_ =	strace $0x90000046  }
0xb2: {  	s29 =	simm.s32 $0x9;
	_ =	strace $0x80000048  }
0xb3: {  	_ =	swait.ge [sflag:s29], $0x1  }
0xb4: {  	[sflag:s29] =	ssyncadd.s32 $0xFFFFFFFF  }
0xb5: {  	_ =	strace $0x90000048  }
0xb6: {  	_ =	sfence  }
0xb7: {  	s30 =	sld [smem:$0x0];
	_ =	sdelay $0x2  }
0xb8: {  	s31 =	sshll.u32 s1, $0xD;
	s1 =	sshrl.u32 s1, $0x2  }
0xb9: {  	s3 =	sand.u32 $0x4000, s31;
	s1 =	sadd.s32 s1, s30  }
0xba: {  	s0 =	sor.u32 s3, s0;
	s1 =	sshll.u32 s1, $0x11  }
0xbb: {  	s0 =	sor.u32 s1, s0  }
0xbc: {  	s0 =	sadd.s32 $0x8F2B, s0  }
0xbd: {  	[sflag:s0] =	ssyncadd.remote.s32 $0x1  }
0xbe: {  	_ =	sfence.sel $0xFFFF  }
0xbf: {  	[dreg:$0x0] =	wrdreg $0xFFFFFFFF;
	(pc) =	sbr.abs _section_cstart, $3  }
0xc0: {  	[dreg:$0x1] =	wrdreg $0xFFFFFFFF  }
0xc1: {  	_ =	task.clear_ibuf [dreg:s7], $0x2FFFF;
	_ =	strace $0x9FFFFFFF  }
0xc2: {  	(tm) =	ssettm $0x7FFFFFFF  }
0xc3: {  	_ =	shalt  }
tec
execute0_lowered:
.L_overlay_start_1:
0x0: {  	(tag) =	ssettag $0x1  }
0x1: {  	s2 =	rddreg [dreg:$0x0];
	s1 =	srdreg.scid  }
0x2: {  	s0 =	stileid.u32;
	s10 =	rddreg [dreg:$0x1];
	s16 =	simm.s32 $0x1  }
0x3: {  	s17 =	simm.s32 $0x2;
	s18 =	simm.s32 $0x3;
	s19 =	simm.s32 $0x1EC00  }
0x4: {  	s20 =	simm.s32 $0x4;
	s21 =	simm.s32 $0x1F000;
	s22 =	simm.s32 $0x0  }
0x5: {  	s8 =	sand.u32 $0x1, s1;
	s3 =	sshll.u32 s0, $0x1;
	s13 =	smul.u32 $0x1860, s0  }
0x6: {  	s1 =	rddreg [dreg:$0x2];
	s9 =	sor.u32 s8, s3;
	s15 =	smul.u32 $0xC30, s8  }
0x7: {  	s3 =	simm.s32 $0x0;
	s4 =	ssub.s32 $0x2, s8;
	s5 =	smul.u32 $0x61800, s9  }
0x8: {  	[smem:$0x7FF] =	sst s3;
	s6 =	sshrl.u32 s4, $0x1;
	s7 =	smul.u32 $0xC300, s9  }
0x9: {  	s11 =	smul.u32 $0xC30, s9;
	s14 =	sshll.u32 s9, $0x7;
	_ =	strace $0x80000047  }
0xa: {  	s12 =	ssub.s32 s4, s6;
	s10 =	sadd.s32 s10, s14;
	s13 =	sadd.s32 s15, s13  }
0xb: {  	s14 =	simm.s32 $0xA400;
	s15 =	simm.s32 $0x14800;
	s5 =	sshrl.u32 s5, $0x3  }
0xc: {  	s4 =	sadd.s32 s2, s7;
	s7 =	sadd.s32 $0x3D8, s11;
	s8 =	sadd.s32 $0x520, s11  }
0xd: {  	s9 =	sadd.s32 $0x668, s11;
	s11 =	sadd.s32 $0x1000, s10;
	s31 =	sadd.s32 s2, s5  }
0xe: {  	s12 =	smax.u32 s12, $0x1;
	s5 =	sadd.s32 $0x1480, s31;
	s6 =	sadd.s32 $0x2900, s31  }
.LBB2_1:
0xf: {  	v3 =	vimm.f32 $-Inf  }
0x10: {  	[tilespmem:s3], [sflag:$0x1] =	stream.linear.gather [hbm4b:s4+s3], $0xA400, $0x38;
	v0 =	vimm.s32 $0x0;
	v1 =	vimm.s32 $0x0;
	v2 =	vimm.s32 $0x0;
	[tilespmem:$0x1F400] =	vst v63  }
0x11: {  	v4 =	vimm.s32 $0x0;
	v5 =	vimm.s32 $0x0;
	v7 =	vimm.s32 $0x0  }
0x12: {  	v12 =	vimm.s32 $0x0;
	v19 =	vimm.s32 $0x0;
	v6 =	vimm.f32 $-Inf;
	[tilespmem:s14], [sflag:$0x2] =	stream.linear.gather [hbm4b:s5+s3], $0xA400, $0x38;
	[tilespmem:$0x1F400] =	vst v63  }
0x13: {  	v8 =	vimm.f32 $-Inf;
	v9 =	vimm.f32 $-Inf;
	v10 =	vimm.f32 $-Inf;
	s23 =	smov.u32 s13;
	s24 =	simm.s32 $0x0  }
0x14: {  	v11 =	vimm.f32 $-Inf;
	v13 =	vimm.f32 $-Inf;
	v14 =	vimm.f32 $-Inf;
	[tilespmem:s15], [sflag:$0x3] =	stream.linear.gather [hbm4b:s6+s3], $0xA400, $0x38;
	[tilespmem:$0x1F400] =	vst v63  }
.LBB2_2:
0x15: {  	_ =	swait.ge [sflag:s16], $0xA400  }
0x16: {  	[sflag:s16] =	ssyncset.done $0x0  }
0x17: {  	s26 =	simm.s32 $0x80;
	[sflag:s16] =	ssyncadd.s32 $0xFFFF5C00  }
0x18: {  	v17 =	vld [tilespmem:s26+$0x0]  }
0x19: {  	v18 =	vld [tilespmem:s26+$0x10]  }
0x1a: {  	v15 =	vld [tilespmem:s26+$0x20]  }
0x1b: {  	v16 =	vld [tilespmem:s26+$0x30]  }
0x1c: {  	v22 =	vld [tilespmem:s26+$0xFFFFFF80]  }
0x1d: {  	v25 =	vld [tilespmem:s26+$0xFFFFFF90]  }
0x1e: {  	v21 =	vld [tilespmem:s26+$0x40]  }
0x1f: {  	v23 =	vld [tilespmem:s26+$0xFFFFFFA0]  }
0x20: {  	v24 =	vld [tilespmem:s26+$0xFFFFFFB0]  }
0x21: {  	v26 =	vld [tilespmem:s26+$0xFFFFFFC0]  }
0x22: {  	s28 =	sadd.s32 $0x0, s23;
	v20 =	vld [tilespmem:s26+$0x50];
	vm0 =	vgt.f32 v22, v14;
	vm1 =	vgt.f32 v25, v13  }
0x23: {  	v14 =	vsel vm0, v22, v14;
	v27 =	vsel vm1, v25, v13;
	v28 =	vsel vm1, s28, v12;
	v12 =	vld [tilespmem:s26+$0xFFFFFFD0]  }
0x24: {  	s29 =	sadd.s32 $0x1, s28;
	v13 =	vsel vm0, s28, v19;
	v22 =	vld [tilespmem:s26+$0xFFFFFFE0];
	vm0 =	vgt.f32 v17, v14;
	vm1 =	vgt.f32 v18, v27  }
0x25: {  	s25 =	smul.u32 $0x3D8, s24;
	s30 =	simm.s32 $0x2;
	v25 =	vld [tilespmem:s26+$0xFFFFFFF0];
	v17 =	vsel vm0, v17, v14;
	v18 =	vsel vm1, v18, v27;
	v19 =	vsel vm1, s29, v28  }
.LBB2_3:
0x26: {  	p0 =	sne.s32 s30, $0x146;
	vm1 =	vgt.f32 v23, v11;
	vm2 =	vgt.f32 v24, v10;
	vm3 =	vgt.f32 v26, v9;
	v14 =	vld [tilespmem:s26+$0x60]  }
0x27: {  	v11 =	vsel vm1, v23, v11;
	v10 =	vsel vm2, v24, v10;
	v9 =	vsel vm3, v26, v9;
	v23 =	vld [tilespmem:s26+$0x70];
	s26 =	sadd.s32 $0x100, s26  }
0x28: {  	v27 =	vld [tilespmem:s26+$0x0];
	vm4 =	vgt.f32 v15, v11;
	vm5 =	vgt.f32 v16, v10;
	vm6 =	vgt.f32 v21, v9  }
0x29: {  	v28 =	vld [tilespmem:s26+$0x10];
	v11 =	vsel vm4, v15, v11;
	v10 =	vsel vm5, v16, v10;
	v9 =	vsel vm6, v21, v9  }
0x2a: {  	vm7 =	vgt.f32 v12, v8;
	vm8 =	vgt.f32 v22, v6;
	v15 =	vld [tilespmem:s26+$0x20];
	vm9 =	vgt.f32 v25, v3  }
0x2b: {  	v8 =	vsel vm7, v12, v8;
	v6 =	vsel vm8, v22, v6;
	v16 =	vld [tilespmem:s26+$0x30];
	v3 =	vsel vm9, v25, v3  }
0x2c: {  	vm10 =	vgt.f32 v20, v8;
	vm11 =	vgt.f32 v14, v6;
	v12 =	vld [tilespmem:s26+$0xFFFFFF80];
	vm12 =	vgt.f32 v23, v3  }
0x2d: {  	v8 =	vsel vm10, v20, v8;
	v6 =	vsel vm11, v14, v6;
	v22 =	vld [tilespmem:s26+$0xFFFFFF90];
	v3 =	vsel vm12, v23, v3  }
0x2e: {  	v2 =	vsel vm7, s28, v2;
	v1 =	vsel vm8, s28, v1;
	v0 =	vsel vm9, s28, v0;
	v21 =	vld [tilespmem:s26+$0x40]  }
0x2f: {  	v2 =	vsel vm10, s29, v2;
	v1 =	vsel vm11, s29, v1;
	v0 =	vsel vm12, s29, v0;
	v23 =	vld [tilespmem:s26+$0xFFFFFFA0]  }
0x30: {  	v7 =	vsel vm1, s28, v7;
	v5 =	vsel vm2, s28, v5;
	v4 =	vsel vm3, s28, v4;
	v24 =	vld [tilespmem:s26+$0xFFFFFFB0]  }
.Ltmp0:
0x31: {  	v7 =	vsel vm4, s29, v7;
	v5 =	vsel vm5, s29, v5;
	v4 =	vsel vm6, s29, v4;
	v26 =	vld [tilespmem:s26+$0xFFFFFFC0];
	(pc) =	sbr.rel @p0 .LBB2_3-.Ltmp0, $4  }
0x32: {  	v13 =	vsel vm0, s29, v13;
	s28 =	sadd.s32 s30, s23;
	vm1 =	vgt.f32 v12, v17;
	vm2 =	vgt.f32 v22, v18;
	v20 =	vld [tilespmem:s26+$0x50]  }
0x33: {  	v14 =	vsel vm1, v12, v17;
	v18 =	vsel vm2, v22, v18;
	v19 =	vsel vm2, s28, v19;
	v12 =	vld [tilespmem:s26+$0xFFFFFFD0]  }
0x34: {  	s29 =	sadd.s32 $0x1, s28;
	v13 =	vsel vm1, s28, v13;
	vm0 =	vgt.f32 v27, v14;
	v22 =	vld [tilespmem:s26+$0xFFFFFFE0];
	vm1 =	vgt.f32 v28, v18  }
0x35: {  	s30 =	sadd.s32 $0x2, s30;
	v17 =	vsel vm0, v27, v14;
	v25 =	vld [tilespmem:s26+$0xFFFFFFF0];
	v18 =	vsel vm1, v28, v18;
	v19 =	vsel vm1, s29, v19  }
0x36: {  	s30 =	sadd.s32 s25, s7  }
0x37: {  	s30 =	sshll.u32 s30, $0x4  }
0x38: {  	v27 =	vld [tilespmem:s26+$0x60];
	s31 =	sadd.s32 s2, s30  }
0x39: {  	v28 =	vld [tilespmem:s26+$0x70];
	[tilespmem:s3], [sflag:$0x1] =	stream.linear.gather [hbm4b:s31+s3], $0xA400, $0x38  }
0x3a: {  	_ =	swait.ge [sflag:s17], $0xA400  }
0x3b: {  	vm1 =	vgt.f32 v23, v11;
	vm2 =	vgt.f32 v24, v10;
	vm3 =	vgt.f32 v26, v9;
	[sflag:s17] =	ssyncset.done $0x0  }
0x3c: {  	s26 =	simm.s32 $0xA480;
	v11 =	vsel vm1, v23, v11;
	v10 =	vsel vm2, v24, v10;
	v9 =	vsel vm3, v26, v9;
	[sflag:s17] =	ssyncadd.s32 $0xFFFF5C00  }
0x3d: {  	v5 =	vsel vm2, s28, v5;
	vm4 =	vgt.f32 v15, v11;
	vm5 =	vgt.f32 v16, v10;
	v29 =	vld [tilespmem:s26+$0x0]  }
0x3e: {  	vm6 =	vgt.f32 v21, v9;
	vm7 =	vgt.f32 v12, v8;
	v14 =	vsel vm4, v15, v11;
	v30 =	vld [tilespmem:s26+$0x10]  }
0x3f: {  	v15 =	vsel vm5, v16, v10;
	v16 =	vsel vm6, v21, v9;
	vm8 =	vgt.f32 v22, v6;
	v9 =	vld [tilespmem:s26+$0x20]  }
0x40: {  	v10 =	vsel vm7, v12, v8;
	v2 =	vsel vm7, s28, v2;
	v6 =	vsel vm8, v22, v6;
	v8 =	vld [tilespmem:s26+$0x30]  }
0x41: {  	vm9 =	vgt.f32 v25, v3;
	vm10 =	vgt.f32 v20, v10;
	vm11 =	vgt.f32 v27, v6;
	v23 =	vld [tilespmem:s26+$0xFFFFFF80]  }
0x42: {  	v1 =	vsel vm8, s28, v1;
	v3 =	vsel vm9, v25, v3;
	v11 =	vsel vm11, v27, v6;
	v6 =	vld [tilespmem:s26+$0xFFFFFF90]  }
0x43: {  	v10 =	vsel vm10, v20, v10;
	vm12 =	vgt.f32 v28, v3;
	v1 =	vsel vm11, s29, v1;
	v20 =	vld [tilespmem:s26+$0x40]  }
0x44: {  	v12 =	vsel vm12, v28, v3;
	v3 =	vsel vm9, s28, v0;
	v0 =	vsel vm10, s29, v2;
	v22 =	vld [tilespmem:s26+$0xFFFFFFA0]  }
0x45: {  	v24 =	vld [tilespmem:s26+$0xFFFFFFB0];
	v2 =	vsel vm12, s29, v3;
	v3 =	vsel vm1, s28, v7;
	v7 =	vsel vm3, s28, v4  }
0x46: {  	s30 =	sadd.s32 $0xFFFFFEB8, s23;
	v27 =	vld [tilespmem:s26+$0xFFFFFFC0];
	v4 =	vsel vm5, s29, v5;
	v3 =	vsel vm4, s29, v3;
	v5 =	vsel vm6, s29, v7  }
0x47: {  	v21 =	vld [tilespmem:s26+$0x50];
	s28 =	sadd.s32 $0x290, s30;
	v7 =	vsel vm0, s29, v13;
	vm0 =	vgt.f32 v23, v17;
	vm1 =	vgt.f32 v6, v18  }
0x48: {  	v25 =	vld [tilespmem:s26+$0xFFFFFFE0];
	v13 =	vsel vm0, v23, v17;
	v17 =	vsel vm1, v6, v18;
	v18 =	vsel vm1, s28, v19  }
0x49: {  	v26 =	vld [tilespmem:s26+$0xFFFFFFF0];
	s29 =	sadd.s32 $0x291, s30;
	v6 =	vsel vm0, s28, v7;
	vm0 =	vgt.f32 v29, v13;
	vm1 =	vgt.f32 v30, v17  }
0x4a: {  	s30 =	simm.s32 $0xFFFFFEBA;
	v23 =	vld [tilespmem:s26+$0xFFFFFFD0];
	v7 =	vsel vm0, v29, v13;
	v13 =	vsel vm1, v30, v17;
	v17 =	vsel vm1, s29, v18  }
.LBB2_5:
0x4b: {  	p0 =	sne.s32 s30, $0xFFFFFFFE;
	vm1 =	vgt.f32 v22, v14;
	vm2 =	vgt.f32 v24, v15;
	vm3 =	vgt.f32 v27, v16;
	v18 =	vld [tilespmem:s26+$0x60]  }
0x4c: {  	v14 =	vsel vm1, v22, v14;
	v15 =	vsel vm2, v24, v15;
	v16 =	vsel vm3, v27, v16;
	v19 =	vld [tilespmem:s26+$0x70];
	s26 =	sadd.s32 $0x100, s26  }
0x4d: {  	v28 =	vld [tilespmem:s26+$0x0];
	vm4 =	vgt.f32 v9, v14;
	vm5 =	vgt.f32 v8, v15;
	vm6 =	vgt.f32 v20, v16  }
0x4e: {  	v29 =	vld [tilespmem:s26+$0x10];
	v14 =	vsel vm4, v9, v14;
	v15 =	vsel vm5, v8, v15;
	v16 =	vsel vm6, v20, v16  }
0x4f: {  	vm7 =	vgt.f32 v23, v10;
	vm8 =	vgt.f32 v25, v11;
	v9 =	vld [tilespmem:s26+$0x20];
	vm9 =	vgt.f32 v26, v12  }
0x50: {  	v10 =	vsel vm7, v23, v10;
	v11 =	vsel vm8, v25, v11;
	v8 =	vld [tilespmem:s26+$0x30];
	v12 =	vsel vm9, v26, v12  }
0x51: {  	vm10 =	vgt.f32 v21, v10;
	vm11 =	vgt.f32 v18, v11;
	v23 =	vld [tilespmem:s26+$0xFFFFFF80];
	vm12 =	vgt.f32 v19, v12  }
0x52: {  	v10 =	vsel vm10, v21, v10;
	v11 =	vsel vm11, v18, v11;
	v25 =	vld [tilespmem:s26+$0xFFFFFF90];
	v12 =	vsel vm12, v19, v12  }
0x53: {  	v0 =	vsel vm7, s28, v0;
	v1 =	vsel vm8, s28, v1;
	v2 =	vsel vm9, s28, v2;
	v20 =	vld [tilespmem:s26+$0x40]  }
0x54: {  	v0 =	vsel vm10, s29, v0;
	v1 =	vsel vm11, s29, v1;
	v2 =	vsel vm12, s29, v2;
	v22 =	vld [tilespmem:s26+$0xFFFFFFA0]  }
0x55: {  	v3 =	vsel vm1, s28, v3;
	v4 =	vsel vm2, s28, v4;
	v5 =	vsel vm3, s28, v5;
	v24 =	vld [tilespmem:s26+$0xFFFFFFB0]  }
.Ltmp1:
0x56: {  	s31 =	sadd.s32 s30, s23;
	v3 =	vsel vm4, s29, v3;
	v4 =	vsel vm5, s29, v4;
	v5 =	vsel vm6, s29, v5;
	v27 =	vld [tilespmem:s26+$0xFFFFFFC0];
	(pc) =	sbr.rel @p0 .LBB2_5-.Ltmp1, $4  }
0x57: {  	v6 =	vsel vm0, s29, v6;
	s28 =	sadd.s32 $0x290, s31;
	vm1 =	vgt.f32 v23, v7;
	vm2 =	vgt.f32 v25, v13;
	v21 =	vld [tilespmem:s26+$0x50]  }
0x58: {  	v7 =	vsel vm1, v23, v7;
	v13 =	vsel vm2, v25, v13;
	v17 =	vsel vm2, s28, v17;
	v23 =	vld [tilespmem:s26+$0xFFFFFFD0]  }
0x59: {  	s29 =	sadd.s32 $0x291, s31;
	v6 =	vsel vm1, s28, v6;
	vm0 =	vgt.f32 v28, v7;
	v25 =	vld [tilespmem:s26+$0xFFFFFFE0];
	vm1 =	vgt.f32 v29, v13  }
0x5a: {  	s30 =	sadd.s32 $0x2, s30;
	v7 =	vsel vm0, v28, v7;
	v26 =	vld [tilespmem:s26+$0xFFFFFFF0];
	v13 =	vsel vm1, v29, v13;
	v17 =	vsel vm1, s29, v17  }
0x5b: {  	p0 =	seq.s32 s24, $0x2  }
0x5c: {  	s30 =	sadd.s32 @!p0 s25, s8  }
0x5d: {  	v28 =	vld [tilespmem:s26+$0x60];
	s30 =	sshll.u32 @!p0 s30, $0x4  }
0x5e: {  	v29 =	vld [tilespmem:s26+$0x70];
	s31 =	simm.s32 @!p0 $0xA400;
	s26 =	sadd.s32 @!p0 s2, s30;
	s30 =	simm.s32 @!p0 $0x0  }
0x5f: {  	[tilespmem:s31], [sflag:$0x2] =	stream.linear.gather @!p0 [hbm4b:s26+s30], $0xA400, $0x38;
	[tilespmem:$0x1F400] =	vst v63  }
0x60: {  	_ =	swait.ge [sflag:s18], $0xA400  }
0x61: {  	vm1 =	vgt.f32 v22, v14;
	vm2 =	vgt.f32 v24, v15;
	vm3 =	vgt.f32 v27, v16;
	[sflag:s18] =	ssyncset.done $0x0  }
0x62: {  	v14 =	vsel vm1, v22, v14;
	v15 =	vsel vm2, v24, v15;
	v19 =	vsel vm3, v27, v16;
	s26 =	simm.s32 $0x14880;
	[sflag:s18] =	ssyncadd.s32 $0xFFFF5C00  }
0x63: {  	v3 =	vsel vm1, s28, v3;
	v24 =	vsel vm3, s28, v5;
	vm4 =	vgt.f32 v9, v14;
	v27 =	vld [tilespmem:s26+$0x0]  }
0x64: {  	vm5 =	vgt.f32 v8, v15;
	vm6 =	vgt.f32 v20, v19;
	vm7 =	vgt.f32 v23, v10;
	v30 =	vld [tilespmem:s26+$0x10]  }
0x65: {  	v16 =	vsel vm4, v9, v14;
	v18 =	vsel vm5, v8, v15;
	vm9 =	vgt.f32 v26, v12;
	v8 =	vld [tilespmem:s26+$0x20]  }
0x66: {  	v19 =	vsel vm6, v20, v19;
	vm8 =	vgt.f32 v25, v11;
	v12 =	vsel vm9, v26, v12;
	v9 =	vld [tilespmem:s26+$0x30]  }
0x67: {  	v10 =	vsel vm7, v23, v10;
	v0 =	vsel vm7, s28, v0;
	vm12 =	vgt.f32 v29, v12;
	v14 =	vld [tilespmem:s26+$0xFFFFFF80]  }
0x68: {  	v15 =	vsel vm2, s28, v4;
	v4 =	vsel vm4, s29, v3;
	v22 =	vsel vm12, v29, v12;
	v12 =	vld [tilespmem:s26+$0xFFFFFF90]  }
0x69: {  	v11 =	vsel vm8, v25, v11;
	vm10 =	vgt.f32 v21, v10;
	v1 =	vsel vm8, s28, v1;
	v23 =	vld [tilespmem:s26+$0x40]  }
0x6a: {  	v5 =	vsel vm5, s29, v15;
	vm11 =	vgt.f32 v28, v11;
	v20 =	vsel vm10, v21, v10;
	v10 =	vld [tilespmem:s26+$0xFFFFFFA0]  }
0x6b: {  	v15 =	vsel vm6, s29, v24;
	v25 =	vsel vm0, s29, v6;
	v21 =	vsel vm11, v28, v11;
	v11 =	vld [tilespmem:s26+$0xFFFFFFB0]  }
0x6c: {  	s30 =	sadd.s32 $0xFFFFFEB8, s23;
	v2 =	vsel vm9, s28, v2;
	v0 =	vsel vm10, s29, v0;
	v1 =	vsel vm11, s29, v1;
	v24 =	vld [tilespmem:s26+$0xFFFFFFC0]  }
0x6d: {  	s28 =	sadd.s32 $0x3D8, s30;
	v2 =	vsel vm12, s29, v2;
	v3 =	vld [tilespmem:s26+$0x50];
	vm0 =	vgt.f32 v14, v7;
	vm1 =	vgt.f32 v12, v13  }
0x6e: {  	v6 =	vld [tilespmem:s26+$0xFFFFFFD0];
	v14 =	vsel vm0, v14, v7;
	v12 =	vsel vm1, v12, v13;
	v26 =	vsel vm1, s28, v17  }
0x6f: {  	s29 =	sadd.s32 $0x3D9, s30;
	v17 =	vsel vm0, s28, v25;
	v7 =	vld [tilespmem:s26+$0xFFFFFFE0];
	vm0 =	vgt.f32 v27, v14;
	vm1 =	vgt.f32 v30, v12  }
0x70: {  	s30 =	simm.s32 $0xFFFFFEBA;
	v25 =	vld [tilespmem:s26+$0xFFFFFFF0];
	v14 =	vsel vm0, v27, v14;
	v13 =	vsel vm1, v30, v12;
	v12 =	vsel vm1, s29, v26  }
.LBB2_7:
0x71: {  	p1 =	sne.s32 s30, $0xFFFFFFFE;
	vm1 =	vgt.f32 v10, v16;
	vm2 =	vgt.f32 v11, v18;
	vm3 =	vgt.f32 v24, v19;
	v26 =	vld [tilespmem:s26+$0x60]  }
0x72: {  	v10 =	vsel vm1, v10, v16;
	v11 =	vsel vm2, v11, v18;
	v19 =	vsel vm3, v24, v19;
	v24 =	vld [tilespmem:s26+$0x70];
	s26 =	sadd.s32 $0x100, s26  }
0x73: {  	v27 =	vld [tilespmem:s26+$0x0];
	vm4 =	vgt.f32 v8, v10;
	vm5 =	vgt.f32 v9, v11;
	vm6 =	vgt.f32 v23, v19  }
0x74: {  	v28 =	vld [tilespmem:s26+$0x10];
	v16 =	vsel vm4, v8, v10;
	v18 =	vsel vm5, v9, v11;
	v19 =	vsel vm6, v23, v19  }
0x75: {  	vm7 =	vgt.f32 v6, v20;
	vm8 =	vgt.f32 v7, v21;
	v8 =	vld [tilespmem:s26+$0x20];
	vm9 =	vgt.f32 v25, v22  }
0x76: {  	v6 =	vsel vm7, v6, v20;
	v7 =	vsel vm8, v7, v21;
	v9 =	vld [tilespmem:s26+$0x30];
	v10 =	vsel vm9, v25, v22  }
0x77: {  	vm10 =	vgt.f32 v3, v6;
	vm11 =	vgt.f32 v26, v7;
	v25 =	vld [tilespmem:s26+$0xFFFFFF80];
	vm12 =	vgt.f32 v24, v10  }
0x78: {  	v20 =	vsel vm10, v3, v6;
	v21 =	vsel vm11, v26, v7;
	v29 =	vld [tilespmem:s26+$0xFFFFFF90];
	v22 =	vsel vm12, v24, v10  }
0x79: {  	v0 =	vsel vm7, s28, v0;
	v1 =	vsel vm8, s28, v1;
	v2 =	vsel vm9, s28, v2;
	v23 =	vld [tilespmem:s26+$0x40]  }
0x7a: {  	v0 =	vsel vm10, s29, v0;
	v1 =	vsel vm11, s29, v1;
	v2 =	vsel vm12, s29, v2;
	v10 =	vld [tilespmem:s26+$0xFFFFFFA0]  }
0x7b: {  	v5 =	vsel vm2, s28, v5;
	v3 =	vsel vm1, s28, v4;
	v6 =	vsel vm3, s28, v15;
	v11 =	vld [tilespmem:s26+$0xFFFFFFB0]  }
.Ltmp2:
0x7c: {  	s31 =	sadd.s32 s30, s23;
	v5 =	vsel vm5, s29, v5;
	v4 =	vsel vm4, s29, v3;
	v15 =	vsel vm6, s29, v6;
	v24 =	vld [tilespmem:s26+$0xFFFFFFC0];
	(pc) =	sbr.rel @p1 .LBB2_7-.Ltmp2, $4  }
0x7d: {  	s28 =	sadd.s32 $0x3D8, s31;
	v7 =	vsel vm0, s29, v17;
	vm1 =	vgt.f32 v25, v14;
	vm2 =	vgt.f32 v29, v13;
	v3 =	vld [tilespmem:s26+$0x50]  }
0x7e: {  	v14 =	vsel vm1, v25, v14;
	v13 =	vsel vm2, v29, v13;
	v12 =	vsel vm2, s28, v12;
	v6 =	vld [tilespmem:s26+$0xFFFFFFD0]  }
0x7f: {  	s29 =	sadd.s32 $0x3D9, s31;
	v17 =	vsel vm1, s28, v7;
	vm0 =	vgt.f32 v27, v14;
	v7 =	vld [tilespmem:s26+$0xFFFFFFE0];
	vm1 =	vgt.f32 v28, v13  }
0x80: {  	s30 =	sadd.s32 $0x2, s30;
	v14 =	vsel vm0, v27, v14;
	v25 =	vld [tilespmem:s26+$0xFFFFFFF0];
	v13 =	vsel vm1, v28, v13;
	v12 =	vsel vm1, s29, v12  }
0x81: {  	vm1 =	vgt.f32 v10, v16  }
0x82: {  	vm2 =	vgt.f32 v11, v18;
	vm3 =	vgt.f32 v24, v19;
	v10 =	vsel vm1, v10, v16  }
0x83: {  	v16 =	vsel vm2, v11, v18;
	v18 =	vsel vm3, v24, v19;
	v4 =	vsel vm1, s28, v4  }
0x84: {  	v26 =	vld [tilespmem:s26+$0x60];
	v5 =	vsel vm2, s28, v5;
	v15 =	vsel vm3, s28, v15;
	vm4 =	vgt.f32 v8, v10  }
0x85: {  	v19 =	vld [tilespmem:s26+$0x70];
	vm5 =	vgt.f32 v9, v16;
	vm6 =	vgt.f32 v23, v18;
	vm7 =	vgt.f32 v6, v20  }
0x86: {  	v11 =	vsel vm4, v8, v10;
	v10 =	vsel vm5, v9, v16;
	v9 =	vsel vm6, v23, v18  }
0x87: {  	vm8 =	vgt.f32 v7, v21;
	v6 =	vsel vm7, v6, v20;
	v0 =	vsel vm7, s28, v0  }
0x88: {  	v5 =	vsel vm5, s29, v5;
	vm9 =	vgt.f32 v25, v22;
	v7 =	vsel vm8, v7, v21  }
.Ltmp3:
0x89: {  	vm10 =	vgt.f32 v3, v6;
	v1 =	vsel vm8, s28, v1;
	v16 =	vsel vm9, v25, v22;
	(pc) =	sbr.rel @p0 .LBB2_10-.Ltmp3, $4  }
0x8a: {  	vm11 =	vgt.f32 v26, v7;
	v8 =	vsel vm10, v3, v6;
	vm12 =	vgt.f32 v19, v16  }
0x8b: {  	v6 =	vsel vm11, v26, v7;
	v7 =	vsel vm9, s28, v2;
	v2 =	vsel vm10, s29, v0  }
0x8c: {  	v1 =	vsel vm11, s29, v1;
	v3 =	vsel vm12, v19, v16;
	v0 =	vsel vm12, s29, v7  }
0x8d: {  	v7 =	vsel vm4, s29, v4;
	v4 =	vsel vm6, s29, v15;
	v19 =	vsel vm0, s29, v17  }
.Ltmp4:
0x8e: {  	(pc) =	sbr.rel .LBB2_2-.Ltmp4, $4  }
0x8f: {  	s25 =	sadd.s32 s25, s9  }
0x90: {  	s25 =	sshll.u32 s25, $0x4  }
0x91: {  	s24 =	sadd.s32 $0x1, s24;
	s23 =	sadd.s32 $0x3D8, s23;
	s25 =	sadd.s32 s2, s25  }
0x92: {  	[tilespmem:s15], [sflag:$0x3] =	stream.linear.gather [hbm4b:s25+s3], $0xA400, $0x38;
	[tilespmem:$0x1F400] =	vst v63  }
.LBB2_10:
0x93: {  	_ =	swait.ge [sflag:s16], $0xA400  }
0x94: {  	[sflag:s16] =	ssyncset.done $0x0  }
0x95: {  	s25 =	simm.s32 $0x80;
	[sflag:s16] =	ssyncadd.s32 $0xFFFF5C00  }
0x96: {  	v22 =	vld [tilespmem:s25+$0x0]  }
0x97: {  	v26 =	vld [tilespmem:s25+$0x10]  }
0x98: {  	v16 =	vld [tilespmem:s25+$0x20]  }
0x99: {  	v15 =	vld [tilespmem:s25+$0x30]  }
0x9a: {  	v20 =	vld [tilespmem:s25+$0xFFFFFF80]  }
0x9b: {  	v21 =	vld [tilespmem:s25+$0xFFFFFF90]  }
0x9c: {  	v17 =	vld [tilespmem:s25+$0x40]  }
0x9d: {  	v24 =	vld [tilespmem:s25+$0xFFFFFFA0]  }
0x9e: {  	v25 =	vld [tilespmem:s25+$0xFFFFFFB0]  }
0x9f: {  	s24 =	sadd.s32 $0xFFFFFEB8, s13;
	v23 =	vld [tilespmem:s25+$0xFFFFFFC0]  }
0xa0: {  	s23 =	sadd.s32 $0xCD0, s24;
	v18 =	vld [tilespmem:s25+$0x50];
	vm0 =	vgt.f32 v20, v14;
	vm1 =	vgt.f32 v21, v13  }
0xa1: {  	v14 =	vsel vm0, v20, v14;
	v13 =	vsel vm1, v21, v13;
	v27 =	vsel vm1, s23, v12;
	v21 =	vld [tilespmem:s25+$0xFFFFFFD0]  }
0xa2: {  	s24 =	sadd.s32 $0xCD1, s24;
	v12 =	vsel vm0, s23, v19;
	v19 =	vld [tilespmem:s25+$0xFFFFFFE0];
	vm0 =	vgt.f32 v22, v14;
	vm1 =	vgt.f32 v26, v13  }
0xa3: {  	s26 =	simm.s32 $0xFFFFFEBA;
	v20 =	vld [tilespmem:s25+$0xFFFFFFF0];
	v22 =	vsel vm0, v22, v14;
	v14 =	vsel vm1, v26, v13;
	v13 =	vsel vm1, s24, v27  }
.LBB2_11:
0xa4: {  	p0 =	sne.s32 s26, $0xFFFFFFFE;
	vm1 =	vgt.f32 v24, v11;
	vm2 =	vgt.f32 v25, v10;
	vm3 =	vgt.f32 v23, v9;
	v26 =	vld [tilespmem:s25+$0x60]  }
0xa5: {  	v11 =	vsel vm1, v24, v11;
	v10 =	vsel vm2, v25, v10;
	v9 =	vsel vm3, v23, v9;
	v23 =	vld [tilespmem:s25+$0x70];
	s25 =	sadd.s32 $0x100, s25  }
0xa6: {  	v27 =	vld [tilespmem:s25+$0x0];
	vm4 =	vgt.f32 v16, v11;
	vm5 =	vgt.f32 v15, v10;
	vm6 =	vgt.f32 v17, v9  }
0xa7: {  	v28 =	vld [tilespmem:s25+$0x10];
	v11 =	vsel vm4, v16, v11;
	v10 =	vsel vm5, v15, v10;
	v9 =	vsel vm6, v17, v9  }
0xa8: {  	vm7 =	vgt.f32 v21, v8;
	vm8 =	vgt.f32 v19, v6;
	v16 =	vld [tilespmem:s25+$0x20];
	vm9 =	vgt.f32 v20, v3  }
0xa9: {  	v8 =	vsel vm7, v21, v8;
	v6 =	vsel vm8, v19, v6;
	v15 =	vld [tilespmem:s25+$0x30];
	v3 =	vsel vm9, v20, v3  }
0xaa: {  	vm10 =	vgt.f32 v18, v8;
	vm11 =	vgt.f32 v26, v6;
	v19 =	vld [tilespmem:s25+$0xFFFFFF80];
	vm12 =	vgt.f32 v23, v3  }
0xab: {  	v8 =	vsel vm10, v18, v8;
	v6 =	vsel vm11, v26, v6;
	v20 =	vld [tilespmem:s25+$0xFFFFFF90];
	v3 =	vsel vm12, v23, v3  }
0xac: {  	v2 =	vsel vm7, s23, v2;
	v1 =	vsel vm8, s23, v1;
	v0 =	vsel vm9, s23, v0;
	v17 =	vld [tilespmem:s25+$0x40]  }
0xad: {  	v2 =	vsel vm10, s24, v2;
	v1 =	vsel vm11, s24, v1;
	v0 =	vsel vm12, s24, v0;
	v24 =	vld [tilespmem:s25+$0xFFFFFFA0]  }
0xae: {  	v7 =	vsel vm1, s23, v7;
	v5 =	vsel vm2, s23, v5;
	v4 =	vsel vm3, s23, v4;
	v25 =	vld [tilespmem:s25+$0xFFFFFFB0]  }
.Ltmp5:
0xaf: {  	s28 =	sadd.s32 s26, s13;
	v7 =	vsel vm4, s24, v7;
	v5 =	vsel vm5, s24, v5;
	v4 =	vsel vm6, s24, v4;
	v23 =	vld [tilespmem:s25+$0xFFFFFFC0];
	(pc) =	sbr.rel @p0 .LBB2_11-.Ltmp5, $4  }
0xb0: {  	v12 =	vsel vm0, s24, v12;
	s23 =	sadd.s32 $0xCD0, s28;
	vm1 =	vgt.f32 v19, v22;
	vm2 =	vgt.f32 v20, v14;
	v18 =	vld [tilespmem:s25+$0x50]  }
0xb1: {  	v22 =	vsel vm1, v19, v22;
	v14 =	vsel vm2, v20, v14;
	v13 =	vsel vm2, s23, v13;
	v21 =	vld [tilespmem:s25+$0xFFFFFFD0]  }
0xb2: {  	s24 =	sadd.s32 $0xCD1, s28;
	v12 =	vsel vm1, s23, v12;
	vm0 =	vgt.f32 v27, v22;
	v19 =	vld [tilespmem:s25+$0xFFFFFFE0];
	vm1 =	vgt.f32 v28, v14  }
0xb3: {  	s26 =	sadd.s32 $0x2, s26;
	v22 =	vsel vm0, v27, v22;
	v20 =	vld [tilespmem:s25+$0xFFFFFFF0];
	v14 =	vsel vm1, v28, v14;
	v13 =	vsel vm1, s24, v13  }
0xb4: {  	v26 =	vld [tilespmem:s25+$0x60]  }
0xb5: {  	v27 =	vld [tilespmem:s25+$0x70];
	[tilespmem:$0x1EC00] =	vst v22;
	vm1 =	vgt.f32 v24, v11  }
0xb6: {  	[tilespmem:$0x1EC80] =	vst v14;
	v11 =	vsel vm1, v24, v11  }
0xb7: {  	v12 =	vsel vm0, s24, v12;
	vm7 =	vgt.f32 v25, v10;
	[tilespmem:$0x1F080] =	vst v13;
	vm2 =	vgt.f32 v16, v11  }
0xb8: {  	[tilespmem:$0x1F000] =	vst v12;
	v10 =	vsel vm7, v25, v10;
	v7 =	vsel vm1, s23, v7;
	v11 =	vsel vm2, v16, v11  }
0xb9: {  	vm8 =	vgt.f32 v23, v9;
	vm3 =	vgt.f32 v15, v10;
	v7 =	vsel vm2, s24, v7;
	[tilespmem:$0x1ED00] =	vst v11  }
0xba: {  	v9 =	vsel vm8, v23, v9;
	v5 =	vsel vm7, s23, v5;
	v10 =	vsel vm3, v15, v10;
	[tilespmem:$0x1F100] =	vst v7  }
0xbb: {  	vm9 =	vgt.f32 v17, v9;
	vm10 =	vgt.f32 v21, v8;
	v5 =	vsel vm3, s24, v5;
	[tilespmem:$0x1ED80] =	vst v10  }
0xbc: {  	v4 =	vsel vm8, s23, v4;
	v59 =	vsel vm9, v17, v9;
	v8 =	vsel vm10, v21, v8;
	[tilespmem:$0x1F180] =	vst v5  }
0xbd: {  	vm11 =	vgt.f32 v19, v6;
	v4 =	vsel vm9, s24, v4;
	vm12 =	vgt.f32 v18, v8;
	[tilespmem:$0x1EE00] =	vst v59  }
0xbe: {  	v2 =	vsel vm10, s23, v2;
	v60 =	vsel vm11, v19, v6;
	[tilespmem:$0x1F200] =	vst v4;
	v61 =	vsel vm12, v18, v8  }
0xbf: {  	vm13 =	vgt.f32 v20, v3;
	vm14 =	vgt.f32 v26, v60;
	v2 =	vsel vm12, s24, v2;
	[tilespmem:$0x1EE80] =	vst v61  }
0xc0: {  	v1 =	vsel vm11, s23, v1;
	v3 =	vsel vm13, v20, v3;
	v62 =	vsel vm14, v26, v60;
	[tilespmem:$0x1F280] =	vst v2  }
0xc1: {  	vm15 =	vgt.f32 v27, v3;
	v1 =	vsel vm14, s24, v1;
	[tilespmem:$0x1EF00] =	vst v62  }
0xc2: {  	v0 =	vsel vm13, s23, v0;
	v63 =	vsel vm15, v27, v3;
	[tilespmem:$0x1F300] =	vst v1  }
0xc3: {  	v0 =	vsel vm15, s24, v0;
	[tilespmem:$0x1EF80] =	vst v63  }
0xc4: {  	[tilespmem:$0x1F380] =	vst v0  }
0xc5: {  	[hbm4b:s10+s3] =	stream.linear.scatter [tilespmem:s19], [sflag:$0x4], $0x400, $0x38;
	[tilespmem:$0x1F400] =	vst v63  }
0xc6: {  	s22 =	sadd.s32 $0x1, s22;
	_ =	swait.ge [sflag:s20], $0x400  }
0xc7: {  	p0 =	sne.s32 s22, s12;
	[sflag:s20] =	ssyncset.done $0x0  }
.Ltmp6:
0xc8: {  	[sflag:s20] =	ssyncadd.s32 $0xFFFFFC00;
	(pc) =	sbr.rel @p0 .LBB2_1-.Ltmp6, $4  }
0xc9: {  	[hbm4b:s11+s3] =	stream.linear.scatter [tilespmem:s21], [sflag:$0x4], $0x400, $0x38;
	[tilespmem:$0x1F400] =	vst v63  }
0xca: {  	_ =	swait.ge [sflag:s20], $0x400  }
0xcb: {  	[sflag:s20] =	ssyncset.done $0x0  }
0xcc: {  	[sflag:s20] =	ssyncadd.s32 $0xFFFFFC00  }
0xcd: {  	_ =	sfence.sel $0x180000  }
0xce: {  	[bflag:$0x0] =	sbarrier.arrive $0xFFFF  }
0xcf: {  	p0 =	sne.s32 s0, $0x0;
	_ =	strace $0x90000047  }
0xd0: {  	s0 =	sadd.s32 @!p0 $0x100000, s1;
	[bflag:$0x2] =	sbarrier.arrive $0xFFFF  }
0xd1: {  	[sflag:s0] =	ssyncadd.tile.s32 @!p0 $0x1;
	_ =	shalt  }
.Lfunc_end2:
_tile_overlayer_lowered:
.L_overlay_start_2:
0xd2: {  	(tag) =	ssettag $0x2  }
0xd3: {  	s0 =	rddreg [dreg:$0x0];
	s2 =	stileid.u32  }
0xd4: {  	s1 =	rddreg [dreg:$0x1];
	p0 =	sne.s32 s2, $0x0  }
0xd5: {  	s3 =	rddreg [dreg:$0x2];
	[bflag:$0x3] =	sbarrier.arrive $0xFFFF;
	s2 =	simm.s32 @!p0 $0x1C04  }
0xd6: {  	[timem:s3], [sflag:s2] =	dma.local @!p0 [hbm:s0], s1  }
0xd7: {  	s0 =	simm.s32 @!p0 $0x4  }
0xd8: {  	_ =	swait.ge @!p0 [sflag:s0], s1  }
0xd9: {  	s1 =	ssub.s32 @!p0 $0x0, s1;
	[sflag:s0] =	ssyncset.done @!p0 $0x0  }
0xda: {  	[sflag:s0] =	ssyncadd.s32 @!p0 s1  }
0xdb: {  	[bflag:$0x3] =	sbarrier.arrive $0xFFFF  }
0xdc: {  	_ =	shalt  }

</sc_bundles>
